<compile_context>
chip_gen: v7x
topology: tpu7x:2x2x1
jax: 0.10.2.dev20260603
libtpu: 0.0.44.dev20260713+nightly
codegen_flags: <defaults>
</compile_context>

<pallas_src>
import functools

import jax
import jax.numpy as jnp
from jax import lax
from jax.experimental import pallas as pl
from jax.experimental.pallas import tpu as pltpu
from jax.experimental.pallas import tpu_sc as plsc

_TOPK = 20
_POWER = 0.1
_N = 256
_LANES = 16
_NCHUNK = _N // _LANES
_NCORES = 2
_NSUB = 16
_HI0 = 0x3F800000


def _sc_body(bitsT_hbm, pack_hbm, bits_v, pack_v):
    c = lax.axis_index("c")
    s = lax.axis_index("s")

    pltpu.sync_copy(bitsT_hbm.at[:, pl.ds(c * _N + s * _LANES, _LANES)],
                    bits_v)

    def _bs_body(_, carry):
        lo, hi, clv = carry
        mid = (lo + hi) >> 1
        mid1 = mid + 1

        def _cnt_body(jb, negcnt):
            base = jb * _LANES
            for jj in range(_LANES):
                negcnt = negcnt + ((bits_v[base + jj] - mid1) >> 31)
            return negcnt

        cnt = -lax.fori_loop(0, _NCHUNK, _cnt_body,
                             jnp.zeros((_LANES,), jnp.int32))
        ge = cnt >= _TOPK
        return (jnp.where(ge, lo, mid + 1),
                jnp.where(ge, mid, hi),
                jnp.where(ge, clv, cnt))

    tv, _, cl = lax.fori_loop(
        0, 30, _bs_body,
        (jnp.zeros((_LANES,), jnp.int32),
         jnp.full((_LANES,), _HI0, jnp.int32),
         jnp.zeros((_LANES,), jnp.int32)))
    need = _TOPK - cl

    def _sel_body(jb, eq_before):
        base = jb * _LANES
        pack = jnp.zeros((_LANES,), jnp.int32)
        for jj in range(_LANES):
            u = bits_v[base + jj]
            lt = u < tv
            eq = u == tv
            sel = lt | (eq & (eq_before < need))
            pack = pack | (jnp.where(sel, 1, 0) << jj)
            eq_before = eq_before + jnp.where(eq, 1, 0)
        pack_v[jb >> 3, jb & 7] = pack
        return eq_before

    lax.fori_loop(0, _NCHUNK, _sel_body, jnp.zeros((_LANES,), jnp.int32))

    pltpu.sync_copy(
        pack_v,
        pack_hbm.at[c, :, s >> 3, :, pl.ds((s & 7) * _LANES, _LANES)])


_sc_topk_select = functools.partial(
    pl.kernel,
    out_type=jax.ShapeDtypeStruct((_NCORES, 2, 2, 8, 128), jnp.int32),
    mesh=plsc.VectorSubcoreMesh(core_axis_name="c", subcore_axis_name="s"),
    compiler_params=pltpu.CompilerParams(use_tc_tiling_on_sc=False),
    scratch_types=[
        pltpu.VMEM((_N, _LANES), jnp.int32),
        pltpu.VMEM((2, 8, _LANES), jnp.int32),
    ],
)(_sc_body)


def _tc_colsum_body(emb_ref, wrd_ref, out_ref):
    e = emb_ref[...]
    w = wrd_ref[...]
    f = 2.0 / (jnp.power(e, _POWER) + jnp.power(w, _POWER))
    out_ref[...] = jnp.sum(f, axis=0, keepdims=True)


def _tc_combine_body(colsum_ref, pack_ref, out_ref):
    colsum = colsum_ref[...]

    jrow = lax.broadcasted_iota(jnp.int32, (_N, _NCHUNK), 0)
    jcol = lax.broadcasted_iota(jnp.int32, (_N, _NCHUNK), 1)
    expand = jnp.where((jrow >> 4) == jcol, 1.0, 0.0)
    shifts = lax.broadcasted_iota(jnp.int32, (_N, _N), 0) & 15
    ones = jnp.ones((1, _N), jnp.float32)

    def _counts(p):
        rep = lax.dot_general(expand, p.astype(jnp.float32),
                              (((1,), (0,)), ((), ())),
                              preferred_element_type=jnp.float32)
        bits = ((rep.astype(jnp.int32) >> shifts) & 1).astype(jnp.float32)
        return lax.dot_general(ones, bits, (((1,), (1,)), ((), ())),
                               preferred_element_type=jnp.float32)

    def _as2d(mat):
        p = pack_ref[mat]
        return jnp.concatenate(
            [jnp.concatenate([p[0, 0], p[0, 1]], axis=1),
             jnp.concatenate([p[1, 0], p[1, 1]], axis=1)], axis=0)

    c_emb = _counts(_as2d(0))
    c_wrd = _counts(_as2d(1))
    m = jnp.where((c_emb > 0.0) & (c_wrd > 0.0), 1.0, 0.0)
    k = jnp.sum(m)
    out_ref[...] = jnp.sum(colsum * (256.0 * m + k), keepdims=True)


def kernel(emb_row, wrd_row):
    bits_t = jnp.concatenate(
        [lax.bitcast_convert_type(emb_row, jnp.int32).T,
         lax.bitcast_convert_type(wrd_row, jnp.int32).T], axis=1)
    pack = _sc_topk_select(bits_t)
    colsum = pl.pallas_call(
        _tc_colsum_body,
        out_shape=jax.ShapeDtypeStruct((1, _N), jnp.float32),
    )(emb_row, wrd_row)
    score = pl.pallas_call(
        _tc_combine_body,
        out_shape=jax.ShapeDtypeStruct((1, 1), jnp.float32),
    )(colsum, pack)
    return score[0, 0]

# --- scband reference (transcript-rebuilt; emitter-appended) ---
"""Pipeline reference for scband-apsyn-power-24438363915030 (READ-ONLY COPY).

The authoritative reference and input builder live on the scoring server;
editing this copy changes nothing except your own understanding.
"""

import jax, jax.numpy as jnp
import numpy as np

TOP_FEATURES = 20
POWER = 0.1
EMBED_SIZE = 256
BATCH = 256

def setup_inputs(seed: int = 0) -> dict:
    key = jax.random.key(seed)
    k1, k2 = jax.random.split(key)
    emb_row = jax.random.uniform(k1, (BATCH, EMBED_SIZE), dtype=jnp.float32)
    wrd_row = jax.random.uniform(k2, (BATCH, EMBED_SIZE), dtype=jnp.float32)
    return {"emb_row": emb_row, "wrd_row": wrd_row}

def reference(emb_row, wrd_row):
    batch_size = emb_row.shape[0]
    # top-ranked feature indices (ascending argsort, first top_features) per row
    emb_dist_top = jnp.argsort(emb_row, axis=1)[:, :TOP_FEATURES]
    wrd_dist_top = jnp.argsort(wrd_row, axis=1)[:, :TOP_FEATURES]
    # torch semantics: arr[idx_2d] = True sets whole rows indexed by the values
    emb_dist_arr = jnp.zeros((batch_size, EMBED_SIZE), dtype=bool).at[emb_dist_top].set(True)
    wrd_dist_arr = jnp.zeros((batch_size, EMBED_SIZE), dtype=bool).at[wrd_dist_top].set(True)
    mask = (emb_dist_arr == wrd_dist_arr) & (emb_dist_arr == True)
    n_max = mask.size
    rows, cols = jnp.nonzero(mask, size=n_max, fill_value=0)
    n_true = jnp.count_nonzero(mask)
    valid = jnp.arange(n_max) < n_true
    intersected = jnp.stack([rows, cols], axis=1)  # [n_max, 2], like torch .nonzero()
    # torch: emb_row[:, intersected] -> [B, n, 2] advanced indexing along dim 1
    ge = emb_row[:, intersected]
    gw = wrd_row[:, intersected]
    terms = 2.0 / (jnp.power(ge, POWER) + jnp.power(gw, POWER))
    score = jnp.where(valid[None, :, None], terms, 0.0).sum()
    return score

if __name__ == "__main__":
    import jax
    _d = setup_inputs()
    print(jax.jit(kernel)(*tuple(_d.values())))

</pallas_src>

<mosaic_0001>
#map = affine_map<(d0, d1) -> (0, 0)>
#map1 = affine_map<(d0, d1) -> (0, 0, 0, 0, 0)>
module attributes {stable_mosaic.version = 14 : i64} {
  func.func @_sc_body(%arg0: i32, %arg1: i32, %arg2: memref<256x512xi32, #tpu.memory_space<hbm>>, %arg3: memref<2x2x2x8x128xi32, #tpu.memory_space<hbm>>, %arg4: memref<256x16xi32, #tpu.memory_space<vmem>>, %arg5: memref<2x8x16xi32, #tpu.memory_space<vmem>>) attributes {dimension_semantics = [#tpu.dimension_semantics<core_parallel>, #tpu.dimension_semantics<subcore_parallel>], iteration_bounds = array<i64: 2, 16>, scalar_prefetch = 0 : i64, scratch_operands = 2 : i64, tpu.core_type = #tpu.core_type<sc_vector_subcore>, window_params = [{transform_indices = #map}, {transform_indices = #map1}]} {
    %mul3A = arith.constant 256 : i32
    %mul3A_0 = arith.muli %arg0, %mul3A : i32
    %mul3A_1 = arith.constant 16 : i32
    %mul3A_2 = arith.muli %arg1, %mul3A_1 : i32
    %add3A = arith.addi %mul3A_0, %mul3A_2 : i32
    "tpu.region"() ({
      %run_scoped3A = tpu.sem_alloc : memref<!tpu.dma_semaphore, #tpu.memory_space<semaphore_mem>>
      %dma_start3A = arith.constant 0 : i32
      %dma_start3A_27 = tpu.memref_slice %arg2[%dma_start3A, %add3A] : memref<256x512xi32, #tpu.memory_space<hbm>> -> memref<256x16xi32, #tpu.memory_space<hbm>>
      %dma_start3A_28 = arith.constant 0 : i32
      %dma_start3A_29 = tpu.memref_slice %arg2[%dma_start3A_28, %add3A] : memref<256x512xi32, #tpu.memory_space<hbm>> -> memref<256x16xi32, #tpu.memory_space<hbm>>
      tpu.enqueue_dma source(%dma_start3A_29 : memref<256x16xi32, #tpu.memory_space<hbm>>) target(%arg4 : memref<256x16xi32, #tpu.memory_space<vmem>>) target_semaphore(%run_scoped3A : memref<!tpu.dma_semaphore, #tpu.memory_space<semaphore_mem>>)
      %dma_wait3A = arith.constant 0 : i32
      %dma_wait3A_30 = tpu.memref_slice %arg2[%dma_wait3A, %add3A] : memref<256x512xi32, #tpu.memory_space<hbm>> -> memref<256x16xi32, #tpu.memory_space<hbm>>
      %dma_wait3A_31 = arith.constant 0 : i32
      %dma_wait3A_32 = tpu.memref_slice %arg2[%dma_wait3A_31, %add3A] : memref<256x512xi32, #tpu.memory_space<hbm>> -> memref<256x16xi32, #tpu.memory_space<hbm>>
      tpu.wait_dma2 semaphore(%run_scoped3A : memref<!tpu.dma_semaphore, #tpu.memory_space<semaphore_mem>>) src(%dma_wait3A_32 : memref<256x16xi32, #tpu.memory_space<hbm>>) dst(%arg4 : memref<256x16xi32, #tpu.memory_space<vmem>>)
      tpu.yield
    }) : () -> ()
    %broadcast_in_dim3A = arith.constant 0 : i32
    %broadcast_in_dim3A_3 = vector.broadcast %broadcast_in_dim3A : i32 to vector<16xi32>
    %broadcast_in_dim3A_4 = arith.constant 1065353216 : i32
    %broadcast_in_dim3A_5 = vector.broadcast %broadcast_in_dim3A_4 : i32 to vector<16xi32>
    %broadcast_in_dim3A_6 = arith.constant 0 : i32
    %broadcast_in_dim3A_7 = vector.broadcast %broadcast_in_dim3A_6 : i32 to vector<16xi32>
    %scan3A = arith.constant 0 : i32
    %scan3A_8 = arith.constant 30 : i32
    %scan3A_9 = arith.addi %scan3A, %scan3A_8 : i32
    %scan3A_10 = arith.constant 1 : i32
    %scan3A_11:3 = scf.for %scan3A_27 = %scan3A to %scan3A_9 step %scan3A_10 iter_args(%scan3A_28 = %broadcast_in_dim3A_3, %scan3A_29 = %broadcast_in_dim3A_5, %scan3A_30 = %broadcast_in_dim3A_7) -> (vector<16xi32>, vector<16xi32>, vector<16xi32>)  : i32 {
      %add3A_31 = arith.addi %scan3A_28, %scan3A_29 : vector<16xi32>
      %shift_right_arithmetic3A_32 = arith.constant 1 : i32
      %shift_right_arithmetic3A_33 = vector.broadcast %shift_right_arithmetic3A_32 : i32 to vector<16xi32>
      %shift_right_arithmetic3A_34 = arith.shrsi %add3A_31, %shift_right_arithmetic3A_33 : vector<16xi32>
      %add3A_35 = arith.constant 1 : i32
      %add3A_36 = vector.broadcast %add3A_35 : i32 to vector<16xi32>
      %add3A_37 = arith.addi %shift_right_arithmetic3A_34, %add3A_36 : vector<16xi32>
      %broadcast_in_dim3A_38 = arith.constant 0 : i32
      %broadcast_in_dim3A_39 = vector.broadcast %broadcast_in_dim3A_38 : i32 to vector<16xi32>
      %scan3A_40 = arith.constant 0 : i32
      %scan3A_41 = arith.constant 16 : i32
      %scan3A_42 = arith.addi %scan3A_40, %scan3A_41 : i32
      %scan3A_43 = arith.constant 1 : i32
      %scan3A_44 = scf.for %scan3A_55 = %scan3A_40 to %scan3A_42 step %scan3A_43 iter_args(%scan3A_56 = %broadcast_in_dim3A_39) -> (vector<16xi32>)  : i32 {
        %mul3A_57 = arith.constant 16 : i32
        %mul3A_58 = arith.muli %scan3A_55, %mul3A_57 : i32
        %add3A_59 = arith.constant 0 : i32
        %add3A_60 = arith.addi %mul3A_58, %add3A_59 : i32
        %get3A = arith.index_cast %add3A_60 : i32 to index
        %get3A_61 = arith.constant 0 : index
        %get3A_62 = tpu.vector_load %arg4[%get3A, %get3A_61] {strides = array<i32>} : memref<256x16xi32, #tpu.memory_space<vmem>>, vector<1x16xi32>,
        %get3A_63 = vector.shape_cast %get3A_62 : vector<1x16xi32> to vector<16xi32>
        %sub3A_64 = arith.subi %get3A_63, %add3A_37 : vector<16xi32>
        %shift_right_arithmetic3A_65 = arith.constant 31 : i32
        %shift_right_arithmetic3A_66 = vector.broadcast %shift_right_arithmetic3A_65 : i32 to vector<16xi32>
        %shift_right_arithmetic3A_67 = arith.shrsi %sub3A_64, %shift_right_arithmetic3A_66 : vector<16xi32>
        %add3A_68 = arith.addi %scan3A_56, %shift_right_arithmetic3A_67 : vector<16xi32>
        %add3A_69 = arith.constant 1 : i32
        %add3A_70 = arith.addi %mul3A_58, %add3A_69 : i32
        %get3A_71 = arith.index_cast %add3A_70 : i32 to index
        %get3A_72 = arith.constant 0 : index
        %get3A_73 = tpu.vector_load %arg4[%get3A_71, %get3A_72] {strides = array<i32>} : memref<256x16xi32, #tpu.memory_space<vmem>>, vector<1x16xi32>,
        %get3A_74 = vector.shape_cast %get3A_73 : vector<1x16xi32> to vector<16xi32>
        %sub3A_75 = arith.subi %get3A_74, %add3A_37 : vector<16xi32>
        %shift_right_arithmetic3A_76 = arith.constant 31 : i32
        %shift_right_arithmetic3A_77 = vector.broadcast %shift_right_arithmetic3A_76 : i32 to vector<16xi32>
        %shift_right_arithmetic3A_78 = arith.shrsi %sub3A_75, %shift_right_arithmetic3A_77 : vector<16xi32>
        %add3A_79 = arith.addi %add3A_68, %shift_right_arithmetic3A_78 : vector<16xi32>
        %add3A_80 = arith.constant 2 : i32
        %add3A_81 = arith.addi %mul3A_58, %add3A_80 : i32
        %get3A_82 = arith.index_cast %add3A_81 : i32 to index
        %get3A_83 = arith.constant 0 : index
        %get3A_84 = tpu.vector_load %arg4[%get3A_82, %get3A_83] {strides = array<i32>} : memref<256x16xi32, #tpu.memory_space<vmem>>, vector<1x16xi32>,
        %get3A_85 = vector.shape_cast %get3A_84 : vector<1x16xi32> to vector<16xi32>
        %sub3A_86 = arith.subi %get3A_85, %add3A_37 : vector<16xi32>
        %shift_right_arithmetic3A_87 = arith.constant 31 : i32
        %shift_right_arithmetic3A_88 = vector.broadcast %shift_right_arithmetic3A_87 : i32 to vector<16xi32>
        %shift_right_arithmetic3A_89 = arith.shrsi %sub3A_86, %shift_right_arithmetic3A_88 : vector<16xi32>
        %add3A_90 = arith.addi %add3A_79, %shift_right_arithmetic3A_89 : vector<16xi32>
        %add3A_91 = arith.constant 3 : i32
        %add3A_92 = arith.addi %mul3A_58, %add3A_91 : i32
        %get3A_93 = arith.index_cast %add3A_92 : i32 to index
        %get3A_94 = arith.constant 0 : index
        %get3A_95 = tpu.vector_load %arg4[%get3A_93, %get3A_94] {strides = array<i32>} : memref<256x16xi32, #tpu.memory_space<vmem>>, vector<1x16xi32>,
        %get3A_96 = vector.shape_cast %get3A_95 : vector<1x16xi32> to vector<16xi32>
        %sub3A_97 = arith.subi %get3A_96, %add3A_37 : vector<16xi32>
        %shift_right_arithmetic3A_98 = arith.constant 31 : i32
        %shift_right_arithmetic3A_99 = vector.broadcast %shift_right_arithmetic3A_98 : i32 to vector<16xi32>
        %shift_right_arithmetic3A_100 = arith.shrsi %sub3A_97, %shift_right_arithmetic3A_99 : vector<16xi32>
        %add3A_101 = arith.addi %add3A_90, %shift_right_arithmetic3A_100 : vector<16xi32>
        %add3A_102 = arith.constant 4 : i32
        %add3A_103 = arith.addi %mul3A_58, %add3A_102 : i32
        %get3A_104 = arith.index_cast %add3A_103 : i32 to index
        %get3A_105 = arith.constant 0 : index
        %get3A_106 = tpu.vector_load %arg4[%get3A_104, %get3A_105] {strides = array<i32>} : memref<256x16xi32, #tpu.memory_space<vmem>>, vector<1x16xi32>,
        %get3A_107 = vector.shape_cast %get3A_106 : vector<1x16xi32> to vector<16xi32>
        %sub3A_108 = arith.subi %get3A_107, %add3A_37 : vector<16xi32>
        %shift_right_arithmetic3A_109 = arith.constant 31 : i32
        %shift_right_arithmetic3A_110 = vector.broadcast %shift_right_arithmetic3A_109 : i32 to vector<16xi32>
        %shift_right_arithmetic3A_111 = arith.shrsi %sub3A_108, %shift_right_arithmetic3A_110 : vector<16xi32>
        %add3A_112 = arith.addi %add3A_101, %shift_right_arithmetic3A_111 : vector<16xi32>
        %add3A_113 = arith.constant 5 : i32
        %add3A_114 = arith.addi %mul3A_58, %add3A_113 : i32
        %get3A_115 = arith.index_cast %add3A_114 : i32 to index
        %get3A_116 = arith.constant 0 : index
        %get3A_117 = tpu.vector_load %arg4[%get3A_115, %get3A_116] {strides = array<i32>} : memref<256x16xi32, #tpu.memory_space<vmem>>, vector<1x16xi32>,
        %get3A_118 = vector.shape_cast %get3A_117 : vector<1x16xi32> to vector<16xi32>
        %sub3A_119 = arith.subi %get3A_118, %add3A_37 : vector<16xi32>
        %shift_right_arithmetic3A_120 = arith.constant 31 : i32
        %shift_right_arithmetic3A_121 = vector.broadcast %shift_right_arithmetic3A_120 : i32 to vector<16xi32>
        %shift_right_arithmetic3A_122 = arith.shrsi %sub3A_119, %shift_right_arithmetic3A_121 : vector<16xi32>
        %add3A_123 = arith.addi %add3A_112, %shift_right_arithmetic3A_122 : vector<16xi32>
        %add3A_124 = arith.constant 6 : i32
        %add3A_125 = arith.addi %mul3A_58, %add3A_124 : i32
        %get3A_126 = arith.index_cast %add3A_125 : i32 to index
        %get3A_127 = arith.constant 0 : index
        %get3A_128 = tpu.vector_load %arg4[%get3A_126, %get3A_127] {strides = array<i32>} : memref<256x16xi32, #tpu.memory_space<vmem>>, vector<1x16xi32>,
        %get3A_129 = vector.shape_cast %get3A_128 : vector<1x16xi32> to vector<16xi32>
        %sub3A_130 = arith.subi %get3A_129, %add3A_37 : vector<16xi32>
        %shift_right_arithmetic3A_131 = arith.constant 31 : i32
        %shift_right_arithmetic3A_132 = vector.broadcast %shift_right_arithmetic3A_131 : i32 to vector<16xi32>
        %shift_right_arithmetic3A_133 = arith.shrsi %sub3A_130, %shift_right_arithmetic3A_132 : vector<16xi32>
        %add3A_134 = arith.addi %add3A_123, %shift_right_arithmetic3A_133 : vector<16xi32>
        %add3A_135 = arith.constant 7 : i32
        %add3A_136 = arith.addi %mul3A_58, %add3A_135 : i32
        %get3A_137 = arith.index_cast %add3A_136 : i32 to index
        %get3A_138 = arith.constant 0 : index
        %get3A_139 = tpu.vector_load %arg4[%get3A_137, %get3A_138] {strides = array<i32>} : memref<256x16xi32, #tpu.memory_space<vmem>>, vector<1x16xi32>,
        %get3A_140 = vector.shape_cast %get3A_139 : vector<1x16xi32> to vector<16xi32>
        %sub3A_141 = arith.subi %get3A_140, %add3A_37 : vector<16xi32>
        %shift_right_arithmetic3A_142 = arith.constant 31 : i32
        %shift_right_arithmetic3A_143 = vector.broadcast %shift_right_arithmetic3A_142 : i32 to vector<16xi32>
        %shift_right_arithmetic3A_144 = arith.shrsi %sub3A_141, %shift_right_arithmetic3A_143 : vector<16xi32>
        %add3A_145 = arith.addi %add3A_134, %shift_right_arithmetic3A_144 : vector<16xi32>
        %add3A_146 = arith.constant 8 : i32
        %add3A_147 = arith.addi %mul3A_58, %add3A_146 : i32
        %get3A_148 = arith.index_cast %add3A_147 : i32 to index
        %get3A_149 = arith.constant 0 : index
        %get3A_150 = tpu.vector_load %arg4[%get3A_148, %get3A_149] {strides = array<i32>} : memref<256x16xi32, #tpu.memory_space<vmem>>, vector<1x16xi32>,
        %get3A_151 = vector.shape_cast %get3A_150 : vector<1x16xi32> to vector<16xi32>
        %sub3A_152 = arith.subi %get3A_151, %add3A_37 : vector<16xi32>
        %shift_right_arithmetic3A_153 = arith.constant 31 : i32
        %shift_right_arithmetic3A_154 = vector.broadcast %shift_right_arithmetic3A_153 : i32 to vector<16xi32>
        %shift_right_arithmetic3A_155 = arith.shrsi %sub3A_152, %shift_right_arithmetic3A_154 : vector<16xi32>
        %add3A_156 = arith.addi %add3A_145, %shift_right_arithmetic3A_155 : vector<16xi32>
        %add3A_157 = arith.constant 9 : i32
        %add3A_158 = arith.addi %mul3A_58, %add3A_157 : i32
        %get3A_159 = arith.index_cast %add3A_158 : i32 to index
        %get3A_160 = arith.constant 0 : index
        %get3A_161 = tpu.vector_load %arg4[%get3A_159, %get3A_160] {strides = array<i32>} : memref<256x16xi32, #tpu.memory_space<vmem>>, vector<1x16xi32>,
        %get3A_162 = vector.shape_cast %get3A_161 : vector<1x16xi32> to vector<16xi32>
        %sub3A_163 = arith.subi %get3A_162, %add3A_37 : vector<16xi32>
        %shift_right_arithmetic3A_164 = arith.constant 31 : i32
        %shift_right_arithmetic3A_165 = vector.broadcast %shift_right_arithmetic3A_164 : i32 to vector<16xi32>
        %shift_right_arithmetic3A_166 = arith.shrsi %sub3A_163, %shift_right_arithmetic3A_165 : vector<16xi32>
        %add3A_167 = arith.addi %add3A_156, %shift_right_arithmetic3A_166 : vector<16xi32>
        %add3A_168 = arith.constant 10 : i32
        %add3A_169 = arith.addi %mul3A_58, %add3A_168 : i32
        %get3A_170 = arith.index_cast %add3A_169 : i32 to index
        %get3A_171 = arith.constant 0 : index
        %get3A_172 = tpu.vector_load %arg4[%get3A_170, %get3A_171] {strides = array<i32>} : memref<256x16xi32, #tpu.memory_space<vmem>>, vector<1x16xi32>,
        %get3A_173 = vector.shape_cast %get3A_172 : vector<1x16xi32> to vector<16xi32>
        %sub3A_174 = arith.subi %get3A_173, %add3A_37 : vector<16xi32>
        %shift_right_arithmetic3A_175 = arith.constant 31 : i32
        %shift_right_arithmetic3A_176 = vector.broadcast %shift_right_arithmetic3A_175 : i32 to vector<16xi32>
        %shift_right_arithmetic3A_177 = arith.shrsi %sub3A_174, %shift_right_arithmetic3A_176 : vector<16xi32>
        %add3A_178 = arith.addi %add3A_167, %shift_right_arithmetic3A_177 : vector<16xi32>
        %add3A_179 = arith.constant 11 : i32
        %add3A_180 = arith.addi %mul3A_58, %add3A_179 : i32
        %get3A_181 = arith.index_cast %add3A_180 : i32 to index
        %get3A_182 = arith.constant 0 : index
        %get3A_183 = tpu.vector_load %arg4[%get3A_181, %get3A_182] {strides = array<i32>} : memref<256x16xi32, #tpu.memory_space<vmem>>, vector<1x16xi32>,
        %get3A_184 = vector.shape_cast %get3A_183 : vector<1x16xi32> to vector<16xi32>
        %sub3A_185 = arith.subi %get3A_184, %add3A_37 : vector<16xi32>
        %shift_right_arithmetic3A_186 = arith.constant 31 : i32
        %shift_right_arithmetic3A_187 = vector.broadcast %shift_right_arithmetic3A_186 : i32 to vector<16xi32>
        %shift_right_arithmetic3A_188 = arith.shrsi %sub3A_185, %shift_right_arithmetic3A_187 : vector<16xi32>
        %add3A_189 = arith.addi %add3A_178, %shift_right_arithmetic3A_188 : vector<16xi32>
        %add3A_190 = arith.constant 12 : i32
        %add3A_191 = arith.addi %mul3A_58, %add3A_190 : i32
        %get3A_192 = arith.index_cast %add3A_191 : i32 to index
        %get3A_193 = arith.constant 0 : index
        %get3A_194 = tpu.vector_load %arg4[%get3A_192, %get3A_193] {strides = array<i32>} : memref<256x16xi32, #tpu.memory_space<vmem>>, vector<1x16xi32>,
        %get3A_195 = vector.shape_cast %get3A_194 : vector<1x16xi32> to vector<16xi32>
        %sub3A_196 = arith.subi %get3A_195, %add3A_37 : vector<16xi32>
        %shift_right_arithmetic3A_197 = arith.constant 31 : i32
        %shift_right_arithmetic3A_198 = vector.broadcast %shift_right_arithmetic3A_197 : i32 to vector<16xi32>
        %shift_right_arithmetic3A_199 = arith.shrsi %sub3A_196, %shift_right_arithmetic3A_198 : vector<16xi32>
        %add3A_200 = arith.addi %add3A_189, %shift_right_arithmetic3A_199 : vector<16xi32>
        %add3A_201 = arith.constant 13 : i32
        %add3A_202 = arith.addi %mul3A_58, %add3A_201 : i32
        %get3A_203 = arith.index_cast %add3A_202 : i32 to index
        %get3A_204 = arith.constant 0 : index
        %get3A_205 = tpu.vector_load %arg4[%get3A_203, %get3A_204] {strides = array<i32>} : memref<256x16xi32, #tpu.memory_space<vmem>>, vector<1x16xi32>,
        %get3A_206 = vector.shape_cast %get3A_205 : vector<1x16xi32> to vector<16xi32>
        %sub3A_207 = arith.subi %get3A_206, %add3A_37 : vector<16xi32>
        %shift_right_arithmetic3A_208 = arith.constant 31 : i32
        %shift_right_arithmetic3A_209 = vector.broadcast %shift_right_arithmetic3A_208 : i32 to vector<16xi32>
        %shift_right_arithmetic3A_210 = arith.shrsi %sub3A_207, %shift_right_arithmetic3A_209 : vector<16xi32>
        %add3A_211 = arith.addi %add3A_200, %shift_right_arithmetic3A_210 : vector<16xi32>
        %add3A_212 = arith.constant 14 : i32
        %add3A_213 = arith.addi %mul3A_58, %add3A_212 : i32
        %get3A_214 = arith.index_cast %add3A_213 : i32 to index
        %get3A_215 = arith.constant 0 : index
        %get3A_216 = tpu.vector_load %arg4[%get3A_214, %get3A_215] {strides = array<i32>} : memref<256x16xi32, #tpu.memory_space<vmem>>, vector<1x16xi32>,
        %get3A_217 = vector.shape_cast %get3A_216 : vector<1x16xi32> to vector<16xi32>
        %sub3A_218 = arith.subi %get3A_217, %add3A_37 : vector<16xi32>
        %shift_right_arithmetic3A_219 = arith.constant 31 : i32
        %shift_right_arithmetic3A_220 = vector.broadcast %shift_right_arithmetic3A_219 : i32 to vector<16xi32>
        %shift_right_arithmetic3A_221 = arith.shrsi %sub3A_218, %shift_right_arithmetic3A_220 : vector<16xi32>
        %add3A_222 = arith.addi %add3A_211, %shift_right_arithmetic3A_221 : vector<16xi32>
        %add3A_223 = arith.constant 15 : i32
        %add3A_224 = arith.addi %mul3A_58, %add3A_223 : i32
        %get3A_225 = arith.index_cast %add3A_224 : i32 to index
        %get3A_226 = arith.constant 0 : index
        %get3A_227 = tpu.vector_load %arg4[%get3A_225, %get3A_226] {strides = array<i32>} : memref<256x16xi32, #tpu.memory_space<vmem>>, vector<1x16xi32>,
        %get3A_228 = vector.shape_cast %get3A_227 : vector<1x16xi32> to vector<16xi32>
        %sub3A_229 = arith.subi %get3A_228, %add3A_37 : vector<16xi32>
        %shift_right_arithmetic3A_230 = arith.constant 31 : i32
        %shift_right_arithmetic3A_231 = vector.broadcast %shift_right_arithmetic3A_230 : i32 to vector<16xi32>
        %shift_right_arithmetic3A_232 = arith.shrsi %sub3A_229, %shift_right_arithmetic3A_231 : vector<16xi32>
        %add3A_233 = arith.addi %add3A_222, %shift_right_arithmetic3A_232 : vector<16xi32>
        scf.yield %add3A_233 : vector<16xi32>
      }
      %scan3A_45 = arith.constant 16 : i32
      %neg3A = arith.constant 0 : i32
      %neg3A_46 = vector.broadcast %neg3A : i32 to vector<16xi32>
      %neg3A_47 = arith.subi %neg3A_46, %scan3A_44 : vector<16xi32>
      %ge3A = arith.constant 20 : i32
      %ge3A_48 = vector.broadcast %ge3A : i32 to vector<16xi32>
      %ge3A_49 = arith.cmpi sge, %neg3A_47, %ge3A_48 : vector<16xi32>
      %add3A_50 = arith.constant 1 : i32
      %add3A_51 = vector.broadcast %add3A_50 : i32 to vector<16xi32>
      %add3A_52 = arith.addi %shift_right_arithmetic3A_34, %add3A_51 : vector<16xi32>
      %select_n3A = arith.select %ge3A_49, %scan3A_28, %add3A_52 : vector<16xi1>, vector<16xi32>
      %select_n3A_53 = arith.select %ge3A_49, %shift_right_arithmetic3A_34, %scan3A_29 : vector<16xi1>, vector<16xi32>
      %select_n3A_54 = arith.select %ge3A_49, %scan3A_30, %neg3A_47 : vector<16xi1>, vector<16xi32>
      scf.yield %select_n3A, %select_n3A_53, %select_n3A_54 : vector<16xi32>, vector<16xi32>, vector<16xi32>
    }
    %scan3A_12 = arith.constant 30 : i32
    %sub3A = arith.constant 20 : i32
    %sub3A_13 = vector.broadcast %sub3A : i32 to vector<16xi32>
    %sub3A_14 = arith.subi %sub3A_13, %scan3A_11#2 : vector<16xi32>
    %broadcast_in_dim3A_15 = arith.constant 0 : i32
    %broadcast_in_dim3A_16 = vector.broadcast %broadcast_in_dim3A_15 : i32 to vector<16xi32>
    %scan3A_17 = arith.constant 0 : i32
    %scan3A_18 = arith.constant 16 : i32
    %scan3A_19 = arith.addi %scan3A_17, %scan3A_18 : i32
    %scan3A_20 = arith.constant 1 : i32
    %scan3A_21 = scf.for %scan3A_27 = %scan3A_17 to %scan3A_19 step %scan3A_20 iter_args(%scan3A_28 = %broadcast_in_dim3A_16) -> (vector<16xi32>)  : i32 {
      %mul3A_29 = arith.constant 16 : i32
      %mul3A_30 = arith.muli %scan3A_27, %mul3A_29 : i32
      %broadcast_in_dim3A_31 = arith.constant 0 : i32
      %broadcast_in_dim3A_32 = vector.broadcast %broadcast_in_dim3A_31 : i32 to vector<16xi32>
      %add3A_33 = arith.constant 0 : i32
      %add3A_34 = arith.addi %mul3A_30, %add3A_33 : i32
      %get3A = arith.index_cast %add3A_34 : i32 to index
      %get3A_35 = arith.constant 0 : index
      %get3A_36 = tpu.vector_load %arg4[%get3A, %get3A_35] {strides = array<i32>} : memref<256x16xi32, #tpu.memory_space<vmem>>, vector<1x16xi32>,
      %get3A_37 = vector.shape_cast %get3A_36 : vector<1x16xi32> to vector<16xi32>
      %lt3A = arith.cmpi slt, %get3A_37, %scan3A_11#0 : vector<16xi32>
      %eq3A = arith.cmpi eq, %get3A_37, %scan3A_11#0 : vector<16xi32>
      %lt3A_38 = arith.cmpi slt, %scan3A_28, %sub3A_14 : vector<16xi32>
      %and3A_39 = arith.andi %eq3A, %lt3A_38 : vector<16xi1>
      %or3A = arith.ori %lt3A, %and3A_39 : vector<16xi1>
      %jit3A = arith.constant 1 : i32
      %jit3A_40 = arith.constant 0 : i32
      %broadcast_in_dim3A_41 = vector.broadcast %jit3A : i32 to vector<16xi32>
      %broadcast_in_dim3A_42 = vector.broadcast %jit3A_40 : i32 to vector<16xi32>
      %select_n3A = arith.select %or3A, %broadcast_in_dim3A_41, %broadcast_in_dim3A_42 : vector<16xi1>, vector<16xi32>
      %shift_left3A = arith.constant 0 : i32
      %shift_left3A_43 = vector.broadcast %shift_left3A : i32 to vector<16xi32>
      %shift_left3A_44 = arith.shli %select_n3A, %shift_left3A_43 : vector<16xi32>
      %or3A_45 = arith.ori %broadcast_in_dim3A_32, %shift_left3A_44 : vector<16xi32>
      %jit3A_46 = arith.constant 1 : i32
      %jit3A_47 = arith.constant 0 : i32
      %broadcast_in_dim3A_48 = vector.broadcast %jit3A_46 : i32 to vector<16xi32>
      %broadcast_in_dim3A_49 = vector.broadcast %jit3A_47 : i32 to vector<16xi32>
      %select_n3A_50 = arith.select %eq3A, %broadcast_in_dim3A_48, %broadcast_in_dim3A_49 : vector<16xi1>, vector<16xi32>
      %add3A_51 = arith.addi %scan3A_28, %select_n3A_50 : vector<16xi32>
      %add3A_52 = arith.constant 1 : i32
      %add3A_53 = arith.addi %mul3A_30, %add3A_52 : i32
      %get3A_54 = arith.index_cast %add3A_53 : i32 to index
      %get3A_55 = arith.constant 0 : index
      %get3A_56 = tpu.vector_load %arg4[%get3A_54, %get3A_55] {strides = array<i32>} : memref<256x16xi32, #tpu.memory_space<vmem>>, vector<1x16xi32>,
      %get3A_57 = vector.shape_cast %get3A_56 : vector<1x16xi32> to vector<16xi32>
      %lt3A_58 = arith.cmpi slt, %get3A_57, %scan3A_11#0 : vector<16xi32>
      %eq3A_59 = arith.cmpi eq, %get3A_57, %scan3A_11#0 : vector<16xi32>
      %lt3A_60 = arith.cmpi slt, %add3A_51, %sub3A_14 : vector<16xi32>
      %and3A_61 = arith.andi %eq3A_59, %lt3A_60 : vector<16xi1>
      %or3A_62 = arith.ori %lt3A_58, %and3A_61 : vector<16xi1>
      %jit3A_63 = arith.constant 1 : i32
      %jit3A_64 = arith.constant 0 : i32
      %broadcast_in_dim3A_65 = vector.broadcast %jit3A_63 : i32 to vector<16xi32>
      %broadcast_in_dim3A_66 = vector.broadcast %jit3A_64 : i32 to vector<16xi32>
      %select_n3A_67 = arith.select %or3A_62, %broadcast_in_dim3A_65, %broadcast_in_dim3A_66 : vector<16xi1>, vector<16xi32>
      %shift_left3A_68 = arith.constant 1 : i32
      %shift_left3A_69 = vector.broadcast %shift_left3A_68 : i32 to vector<16xi32>
      %shift_left3A_70 = arith.shli %select_n3A_67, %shift_left3A_69 : vector<16xi32>
      %or3A_71 = arith.ori %or3A_45, %shift_left3A_70 : vector<16xi32>
      %jit3A_72 = arith.constant 1 : i32
      %jit3A_73 = arith.constant 0 : i32
      %broadcast_in_dim3A_74 = vector.broadcast %jit3A_72 : i32 to vector<16xi32>
      %broadcast_in_dim3A_75 = vector.broadcast %jit3A_73 : i32 to vector<16xi32>
      %select_n3A_76 = arith.select %eq3A_59, %broadcast_in_dim3A_74, %broadcast_in_dim3A_75 : vector<16xi1>, vector<16xi32>
      %add3A_77 = arith.addi %add3A_51, %select_n3A_76 : vector<16xi32>
      %add3A_78 = arith.constant 2 : i32
      %add3A_79 = arith.addi %mul3A_30, %add3A_78 : i32
      %get3A_80 = arith.index_cast %add3A_79 : i32 to index
      %get3A_81 = arith.constant 0 : index
      %get3A_82 = tpu.vector_load %arg4[%get3A_80, %get3A_81] {strides = array<i32>} : memref<256x16xi32, #tpu.memory_space<vmem>>, vector<1x16xi32>,
      %get3A_83 = vector.shape_cast %get3A_82 : vector<1x16xi32> to vector<16xi32>
      %lt3A_84 = arith.cmpi slt, %get3A_83, %scan3A_11#0 : vector<16xi32>
      %eq3A_85 = arith.cmpi eq, %get3A_83, %scan3A_11#0 : vector<16xi32>
      %lt3A_86 = arith.cmpi slt, %add3A_77, %sub3A_14 : vector<16xi32>
      %and3A_87 = arith.andi %eq3A_85, %lt3A_86 : vector<16xi1>
      %or3A_88 = arith.ori %lt3A_84, %and3A_87 : vector<16xi1>
      %jit3A_89 = arith.constant 1 : i32
      %jit3A_90 = arith.constant 0 : i32
      %broadcast_in_dim3A_91 = vector.broadcast %jit3A_89 : i32 to vector<16xi32>
      %broadcast_in_dim3A_92 = vector.broadcast %jit3A_90 : i32 to vector<16xi32>
      %select_n3A_93 = arith.select %or3A_88, %broadcast_in_dim3A_91, %broadcast_in_dim3A_92 : vector<16xi1>, vector<16xi32>
      %shift_left3A_94 = arith.constant 2 : i32
      %shift_left3A_95 = vector.broadcast %shift_left3A_94 : i32 to vector<16xi32>
      %shift_left3A_96 = arith.shli %select_n3A_93, %shift_left3A_95 : vector<16xi32>
      %or3A_97 = arith.ori %or3A_71, %shift_left3A_96 : vector<16xi32>
      %jit3A_98 = arith.constant 1 : i32
      %jit3A_99 = arith.constant 0 : i32
      %broadcast_in_dim3A_100 = vector.broadcast %jit3A_98 : i32 to vector<16xi32>
      %broadcast_in_dim3A_101 = vector.broadcast %jit3A_99 : i32 to vector<16xi32>
      %select_n3A_102 = arith.select %eq3A_85, %broadcast_in_dim3A_100, %broadcast_in_dim3A_101 : vector<16xi1>, vector<16xi32>
      %add3A_103 = arith.addi %add3A_77, %select_n3A_102 : vector<16xi32>
      %add3A_104 = arith.constant 3 : i32
      %add3A_105 = arith.addi %mul3A_30, %add3A_104 : i32
      %get3A_106 = arith.index_cast %add3A_105 : i32 to index
      %get3A_107 = arith.constant 0 : index
      %get3A_108 = tpu.vector_load %arg4[%get3A_106, %get3A_107] {strides = array<i32>} : memref<256x16xi32, #tpu.memory_space<vmem>>, vector<1x16xi32>,
      %get3A_109 = vector.shape_cast %get3A_108 : vector<1x16xi32> to vector<16xi32>
      %lt3A_110 = arith.cmpi slt, %get3A_109, %scan3A_11#0 : vector<16xi32>
      %eq3A_111 = arith.cmpi eq, %get3A_109, %scan3A_11#0 : vector<16xi32>
      %lt3A_112 = arith.cmpi slt, %add3A_103, %sub3A_14 : vector<16xi32>
      %and3A_113 = arith.andi %eq3A_111, %lt3A_112 : vector<16xi1>
      %or3A_114 = arith.ori %lt3A_110, %and3A_113 : vector<16xi1>
      %jit3A_115 = arith.constant 1 : i32
      %jit3A_116 = arith.constant 0 : i32
      %broadcast_in_dim3A_117 = vector.broadcast %jit3A_115 : i32 to vector<16xi32>
      %broadcast_in_dim3A_118 = vector.broadcast %jit3A_116 : i32 to vector<16xi32>
      %select_n3A_119 = arith.select %or3A_114, %broadcast_in_dim3A_117, %broadcast_in_dim3A_118 : vector<16xi1>, vector<16xi32>
      %shift_left3A_120 = arith.constant 3 : i32
      %shift_left3A_121 = vector.broadcast %shift_left3A_120 : i32 to vector<16xi32>
      %shift_left3A_122 = arith.shli %select_n3A_119, %shift_left3A_121 : vector<16xi32>
      %or3A_123 = arith.ori %or3A_97, %shift_left3A_122 : vector<16xi32>
      %jit3A_124 = arith.constant 1 : i32
      %jit3A_125 = arith.constant 0 : i32
      %broadcast_in_dim3A_126 = vector.broadcast %jit3A_124 : i32 to vector<16xi32>
      %broadcast_in_dim3A_127 = vector.broadcast %jit3A_125 : i32 to vector<16xi32>
      %select_n3A_128 = arith.select %eq3A_111, %broadcast_in_dim3A_126, %broadcast_in_dim3A_127 : vector<16xi1>, vector<16xi32>
      %add3A_129 = arith.addi %add3A_103, %select_n3A_128 : vector<16xi32>
      %add3A_130 = arith.constant 4 : i32
      %add3A_131 = arith.addi %mul3A_30, %add3A_130 : i32
      %get3A_132 = arith.index_cast %add3A_131 : i32 to index
      %get3A_133 = arith.constant 0 : index
      %get3A_134 = tpu.vector_load %arg4[%get3A_132, %get3A_133] {strides = array<i32>} : memref<256x16xi32, #tpu.memory_space<vmem>>, vector<1x16xi32>,
      %get3A_135 = vector.shape_cast %get3A_134 : vector<1x16xi32> to vector<16xi32>
      %lt3A_136 = arith.cmpi slt, %get3A_135, %scan3A_11#0 : vector<16xi32>
      %eq3A_137 = arith.cmpi eq, %get3A_135, %scan3A_11#0 : vector<16xi32>
      %lt3A_138 = arith.cmpi slt, %add3A_129, %sub3A_14 : vector<16xi32>
      %and3A_139 = arith.andi %eq3A_137, %lt3A_138 : vector<16xi1>
      %or3A_140 = arith.ori %lt3A_136, %and3A_139 : vector<16xi1>
      %jit3A_141 = arith.constant 1 : i32
      %jit3A_142 = arith.constant 0 : i32
      %broadcast_in_dim3A_143 = vector.broadcast %jit3A_141 : i32 to vector<16xi32>
      %broadcast_in_dim3A_144 = vector.broadcast %jit3A_142 : i32 to vector<16xi32>
      %select_n3A_145 = arith.select %or3A_140, %broadcast_in_dim3A_143, %broadcast_in_dim3A_144 : vector<16xi1>, vector<16xi32>
      %shift_left3A_146 = arith.constant 4 : i32
      %shift_left3A_147 = vector.broadcast %shift_left3A_146 : i32 to vector<16xi32>
      %shift_left3A_148 = arith.shli %select_n3A_145, %shift_left3A_147 : vector<16xi32>
      %or3A_149 = arith.ori %or3A_123, %shift_left3A_148 : vector<16xi32>
      %jit3A_150 = arith.constant 1 : i32
      %jit3A_151 = arith.constant 0 : i32
      %broadcast_in_dim3A_152 = vector.broadcast %jit3A_150 : i32 to vector<16xi32>
      %broadcast_in_dim3A_153 = vector.broadcast %jit3A_151 : i32 to vector<16xi32>
      %select_n3A_154 = arith.select %eq3A_137, %broadcast_in_dim3A_152, %broadcast_in_dim3A_153 : vector<16xi1>, vector<16xi32>
      %add3A_155 = arith.addi %add3A_129, %select_n3A_154 : vector<16xi32>
      %add3A_156 = arith.constant 5 : i32
      %add3A_157 = arith.addi %mul3A_30, %add3A_156 : i32
      %get3A_158 = arith.index_cast %add3A_157 : i32 to index
      %get3A_159 = arith.constant 0 : index
      %get3A_160 = tpu.vector_load %arg4[%get3A_158, %get3A_159] {strides = array<i32>} : memref<256x16xi32, #tpu.memory_space<vmem>>, vector<1x16xi32>,
      %get3A_161 = vector.shape_cast %get3A_160 : vector<1x16xi32> to vector<16xi32>
      %lt3A_162 = arith.cmpi slt, %get3A_161, %scan3A_11#0 : vector<16xi32>
      %eq3A_163 = arith.cmpi eq, %get3A_161, %scan3A_11#0 : vector<16xi32>
      %lt3A_164 = arith.cmpi slt, %add3A_155, %sub3A_14 : vector<16xi32>
      %and3A_165 = arith.andi %eq3A_163, %lt3A_164 : vector<16xi1>
      %or3A_166 = arith.ori %lt3A_162, %and3A_165 : vector<16xi1>
      %jit3A_167 = arith.constant 1 : i32
      %jit3A_168 = arith.constant 0 : i32
      %broadcast_in_dim3A_169 = vector.broadcast %jit3A_167 : i32 to vector<16xi32>
      %broadcast_in_dim3A_170 = vector.broadcast %jit3A_168 : i32 to vector<16xi32>
      %select_n3A_171 = arith.select %or3A_166, %broadcast_in_dim3A_169, %broadcast_in_dim3A_170 : vector<16xi1>, vector<16xi32>
      %shift_left3A_172 = arith.constant 5 : i32
      %shift_left3A_173 = vector.broadcast %shift_left3A_172 : i32 to vector<16xi32>
      %shift_left3A_174 = arith.shli %select_n3A_171, %shift_left3A_173 : vector<16xi32>
      %or3A_175 = arith.ori %or3A_149, %shift_left3A_174 : vector<16xi32>
      %jit3A_176 = arith.constant 1 : i32
      %jit3A_177 = arith.constant 0 : i32
      %broadcast_in_dim3A_178 = vector.broadcast %jit3A_176 : i32 to vector<16xi32>
      %broadcast_in_dim3A_179 = vector.broadcast %jit3A_177 : i32 to vector<16xi32>
      %select_n3A_180 = arith.select %eq3A_163, %broadcast_in_dim3A_178, %broadcast_in_dim3A_179 : vector<16xi1>, vector<16xi32>
      %add3A_181 = arith.addi %add3A_155, %select_n3A_180 : vector<16xi32>
      %add3A_182 = arith.constant 6 : i32
      %add3A_183 = arith.addi %mul3A_30, %add3A_182 : i32
      %get3A_184 = arith.index_cast %add3A_183 : i32 to index
      %get3A_185 = arith.constant 0 : index
      %get3A_186 = tpu.vector_load %arg4[%get3A_184, %get3A_185] {strides = array<i32>} : memref<256x16xi32, #tpu.memory_space<vmem>>, vector<1x16xi32>,
      %get3A_187 = vector.shape_cast %get3A_186 : vector<1x16xi32> to vector<16xi32>
      %lt3A_188 = arith.cmpi slt, %get3A_187, %scan3A_11#0 : vector<16xi32>
      %eq3A_189 = arith.cmpi eq, %get3A_187, %scan3A_11#0 : vector<16xi32>
      %lt3A_190 = arith.cmpi slt, %add3A_181, %sub3A_14 : vector<16xi32>
      %and3A_191 = arith.andi %eq3A_189, %lt3A_190 : vector<16xi1>
      %or3A_192 = arith.ori %lt3A_188, %and3A_191 : vector<16xi1>
      %jit3A_193 = arith.constant 1 : i32
      %jit3A_194 = arith.constant 0 : i32
      %broadcast_in_dim3A_195 = vector.broadcast %jit3A_193 : i32 to vector<16xi32>
      %broadcast_in_dim3A_196 = vector.broadcast %jit3A_194 : i32 to vector<16xi32>
      %select_n3A_197 = arith.select %or3A_192, %broadcast_in_dim3A_195, %broadcast_in_dim3A_196 : vector<16xi1>, vector<16xi32>
      %shift_left3A_198 = arith.constant 6 : i32
      %shift_left3A_199 = vector.broadcast %shift_left3A_198 : i32 to vector<16xi32>
      %shift_left3A_200 = arith.shli %select_n3A_197, %shift_left3A_199 : vector<16xi32>
      %or3A_201 = arith.ori %or3A_175, %shift_left3A_200 : vector<16xi32>
      %jit3A_202 = arith.constant 1 : i32
      %jit3A_203 = arith.constant 0 : i32
      %broadcast_in_dim3A_204 = vector.broadcast %jit3A_202 : i32 to vector<16xi32>
      %broadcast_in_dim3A_205 = vector.broadcast %jit3A_203 : i32 to vector<16xi32>
      %select_n3A_206 = arith.select %eq3A_189, %broadcast_in_dim3A_204, %broadcast_in_dim3A_205 : vector<16xi1>, vector<16xi32>
      %add3A_207 = arith.addi %add3A_181, %select_n3A_206 : vector<16xi32>
      %add3A_208 = arith.constant 7 : i32
      %add3A_209 = arith.addi %mul3A_30, %add3A_208 : i32
      %get3A_210 = arith.index_cast %add3A_209 : i32 to index
      %get3A_211 = arith.constant 0 : index
      %get3A_212 = tpu.vector_load %arg4[%get3A_210, %get3A_211] {strides = array<i32>} : memref<256x16xi32, #tpu.memory_space<vmem>>, vector<1x16xi32>,
      %get3A_213 = vector.shape_cast %get3A_212 : vector<1x16xi32> to vector<16xi32>
      %lt3A_214 = arith.cmpi slt, %get3A_213, %scan3A_11#0 : vector<16xi32>
      %eq3A_215 = arith.cmpi eq, %get3A_213, %scan3A_11#0 : vector<16xi32>
      %lt3A_216 = arith.cmpi slt, %add3A_207, %sub3A_14 : vector<16xi32>
      %and3A_217 = arith.andi %eq3A_215, %lt3A_216 : vector<16xi1>
      %or3A_218 = arith.ori %lt3A_214, %and3A_217 : vector<16xi1>
      %jit3A_219 = arith.constant 1 : i32
      %jit3A_220 = arith.constant 0 : i32
      %broadcast_in_dim3A_221 = vector.broadcast %jit3A_219 : i32 to vector<16xi32>
      %broadcast_in_dim3A_222 = vector.broadcast %jit3A_220 : i32 to vector<16xi32>
      %select_n3A_223 = arith.select %or3A_218, %broadcast_in_dim3A_221, %broadcast_in_dim3A_222 : vector<16xi1>, vector<16xi32>
      %shift_left3A_224 = arith.constant 7 : i32
      %shift_left3A_225 = vector.broadcast %shift_left3A_224 : i32 to vector<16xi32>
      %shift_left3A_226 = arith.shli %select_n3A_223, %shift_left3A_225 : vector<16xi32>
      %or3A_227 = arith.ori %or3A_201, %shift_left3A_226 : vector<16xi32>
      %jit3A_228 = arith.constant 1 : i32
      %jit3A_229 = arith.constant 0 : i32
      %broadcast_in_dim3A_230 = vector.broadcast %jit3A_228 : i32 to vector<16xi32>
      %broadcast_in_dim3A_231 = vector.broadcast %jit3A_229 : i32 to vector<16xi32>
      %select_n3A_232 = arith.select %eq3A_215, %broadcast_in_dim3A_230, %broadcast_in_dim3A_231 : vector<16xi1>, vector<16xi32>
      %add3A_233 = arith.addi %add3A_207, %select_n3A_232 : vector<16xi32>
      %add3A_234 = arith.constant 8 : i32
      %add3A_235 = arith.addi %mul3A_30, %add3A_234 : i32
      %get3A_236 = arith.index_cast %add3A_235 : i32 to index
      %get3A_237 = arith.constant 0 : index
      %get3A_238 = tpu.vector_load %arg4[%get3A_236, %get3A_237] {strides = array<i32>} : memref<256x16xi32, #tpu.memory_space<vmem>>, vector<1x16xi32>,
      %get3A_239 = vector.shape_cast %get3A_238 : vector<1x16xi32> to vector<16xi32>
      %lt3A_240 = arith.cmpi slt, %get3A_239, %scan3A_11#0 : vector<16xi32>
      %eq3A_241 = arith.cmpi eq, %get3A_239, %scan3A_11#0 : vector<16xi32>
      %lt3A_242 = arith.cmpi slt, %add3A_233, %sub3A_14 : vector<16xi32>
      %and3A_243 = arith.andi %eq3A_241, %lt3A_242 : vector<16xi1>
      %or3A_244 = arith.ori %lt3A_240, %and3A_243 : vector<16xi1>
      %jit3A_245 = arith.constant 1 : i32
      %jit3A_246 = arith.constant 0 : i32
      %broadcast_in_dim3A_247 = vector.broadcast %jit3A_245 : i32 to vector<16xi32>
      %broadcast_in_dim3A_248 = vector.broadcast %jit3A_246 : i32 to vector<16xi32>
      %select_n3A_249 = arith.select %or3A_244, %broadcast_in_dim3A_247, %broadcast_in_dim3A_248 : vector<16xi1>, vector<16xi32>
      %shift_left3A_250 = arith.constant 8 : i32
      %shift_left3A_251 = vector.broadcast %shift_left3A_250 : i32 to vector<16xi32>
      %shift_left3A_252 = arith.shli %select_n3A_249, %shift_left3A_251 : vector<16xi32>
      %or3A_253 = arith.ori %or3A_227, %shift_left3A_252 : vector<16xi32>
      %jit3A_254 = arith.constant 1 : i32
      %jit3A_255 = arith.constant 0 : i32
      %broadcast_in_dim3A_256 = vector.broadcast %jit3A_254 : i32 to vector<16xi32>
      %broadcast_in_dim3A_257 = vector.broadcast %jit3A_255 : i32 to vector<16xi32>
      %select_n3A_258 = arith.select %eq3A_241, %broadcast_in_dim3A_256, %broadcast_in_dim3A_257 : vector<16xi1>, vector<16xi32>
      %add3A_259 = arith.addi %add3A_233, %select_n3A_258 : vector<16xi32>
      %add3A_260 = arith.constant 9 : i32
      %add3A_261 = arith.addi %mul3A_30, %add3A_260 : i32
      %get3A_262 = arith.index_cast %add3A_261 : i32 to index
      %get3A_263 = arith.constant 0 : index
      %get3A_264 = tpu.vector_load %arg4[%get3A_262, %get3A_263] {strides = array<i32>} : memref<256x16xi32, #tpu.memory_space<vmem>>, vector<1x16xi32>,
      %get3A_265 = vector.shape_cast %get3A_264 : vector<1x16xi32> to vector<16xi32>
      %lt3A_266 = arith.cmpi slt, %get3A_265, %scan3A_11#0 : vector<16xi32>
      %eq3A_267 = arith.cmpi eq, %get3A_265, %scan3A_11#0 : vector<16xi32>
      %lt3A_268 = arith.cmpi slt, %add3A_259, %sub3A_14 : vector<16xi32>
      %and3A_269 = arith.andi %eq3A_267, %lt3A_268 : vector<16xi1>
      %or3A_270 = arith.ori %lt3A_266, %and3A_269 : vector<16xi1>
      %jit3A_271 = arith.constant 1 : i32
      %jit3A_272 = arith.constant 0 : i32
      %broadcast_in_dim3A_273 = vector.broadcast %jit3A_271 : i32 to vector<16xi32>
      %broadcast_in_dim3A_274 = vector.broadcast %jit3A_272 : i32 to vector<16xi32>
      %select_n3A_275 = arith.select %or3A_270, %broadcast_in_dim3A_273, %broadcast_in_dim3A_274 : vector<16xi1>, vector<16xi32>
      %shift_left3A_276 = arith.constant 9 : i32
      %shift_left3A_277 = vector.broadcast %shift_left3A_276 : i32 to vector<16xi32>
      %shift_left3A_278 = arith.shli %select_n3A_275, %shift_left3A_277 : vector<16xi32>
      %or3A_279 = arith.ori %or3A_253, %shift_left3A_278 : vector<16xi32>
      %jit3A_280 = arith.constant 1 : i32
      %jit3A_281 = arith.constant 0 : i32
      %broadcast_in_dim3A_282 = vector.broadcast %jit3A_280 : i32 to vector<16xi32>
      %broadcast_in_dim3A_283 = vector.broadcast %jit3A_281 : i32 to vector<16xi32>
      %select_n3A_284 = arith.select %eq3A_267, %broadcast_in_dim3A_282, %broadcast_in_dim3A_283 : vector<16xi1>, vector<16xi32>
      %add3A_285 = arith.addi %add3A_259, %select_n3A_284 : vector<16xi32>
      %add3A_286 = arith.constant 10 : i32
      %add3A_287 = arith.addi %mul3A_30, %add3A_286 : i32
      %get3A_288 = arith.index_cast %add3A_287 : i32 to index
      %get3A_289 = arith.constant 0 : index
      %get3A_290 = tpu.vector_load %arg4[%get3A_288, %get3A_289] {strides = array<i32>} : memref<256x16xi32, #tpu.memory_space<vmem>>, vector<1x16xi32>,
      %get3A_291 = vector.shape_cast %get3A_290 : vector<1x16xi32> to vector<16xi32>
      %lt3A_292 = arith.cmpi slt, %get3A_291, %scan3A_11#0 : vector<16xi32>
      %eq3A_293 = arith.cmpi eq, %get3A_291, %scan3A_11#0 : vector<16xi32>
      %lt3A_294 = arith.cmpi slt, %add3A_285, %sub3A_14 : vector<16xi32>
      %and3A_295 = arith.andi %eq3A_293, %lt3A_294 : vector<16xi1>
      %or3A_296 = arith.ori %lt3A_292, %and3A_295 : vector<16xi1>
      %jit3A_297 = arith.constant 1 : i32
      %jit3A_298 = arith.constant 0 : i32
      %broadcast_in_dim3A_299 = vector.broadcast %jit3A_297 : i32 to vector<16xi32>
      %broadcast_in_dim3A_300 = vector.broadcast %jit3A_298 : i32 to vector<16xi32>
      %select_n3A_301 = arith.select %or3A_296, %broadcast_in_dim3A_299, %broadcast_in_dim3A_300 : vector<16xi1>, vector<16xi32>
      %shift_left3A_302 = arith.constant 10 : i32
      %shift_left3A_303 = vector.broadcast %shift_left3A_302 : i32 to vector<16xi32>
      %shift_left3A_304 = arith.shli %select_n3A_301, %shift_left3A_303 : vector<16xi32>
      %or3A_305 = arith.ori %or3A_279, %shift_left3A_304 : vector<16xi32>
      %jit3A_306 = arith.constant 1 : i32
      %jit3A_307 = arith.constant 0 : i32
      %broadcast_in_dim3A_308 = vector.broadcast %jit3A_306 : i32 to vector<16xi32>
      %broadcast_in_dim3A_309 = vector.broadcast %jit3A_307 : i32 to vector<16xi32>
      %select_n3A_310 = arith.select %eq3A_293, %broadcast_in_dim3A_308, %broadcast_in_dim3A_309 : vector<16xi1>, vector<16xi32>
      %add3A_311 = arith.addi %add3A_285, %select_n3A_310 : vector<16xi32>
      %add3A_312 = arith.constant 11 : i32
      %add3A_313 = arith.addi %mul3A_30, %add3A_312 : i32
      %get3A_314 = arith.index_cast %add3A_313 : i32 to index
      %get3A_315 = arith.constant 0 : index
      %get3A_316 = tpu.vector_load %arg4[%get3A_314, %get3A_315] {strides = array<i32>} : memref<256x16xi32, #tpu.memory_space<vmem>>, vector<1x16xi32>,
      %get3A_317 = vector.shape_cast %get3A_316 : vector<1x16xi32> to vector<16xi32>
      %lt3A_318 = arith.cmpi slt, %get3A_317, %scan3A_11#0 : vector<16xi32>
      %eq3A_319 = arith.cmpi eq, %get3A_317, %scan3A_11#0 : vector<16xi32>
      %lt3A_320 = arith.cmpi slt, %add3A_311, %sub3A_14 : vector<16xi32>
      %and3A_321 = arith.andi %eq3A_319, %lt3A_320 : vector<16xi1>
      %or3A_322 = arith.ori %lt3A_318, %and3A_321 : vector<16xi1>
      %jit3A_323 = arith.constant 1 : i32
      %jit3A_324 = arith.constant 0 : i32
      %broadcast_in_dim3A_325 = vector.broadcast %jit3A_323 : i32 to vector<16xi32>
      %broadcast_in_dim3A_326 = vector.broadcast %jit3A_324 : i32 to vector<16xi32>
      %select_n3A_327 = arith.select %or3A_322, %broadcast_in_dim3A_325, %broadcast_in_dim3A_326 : vector<16xi1>, vector<16xi32>
      %shift_left3A_328 = arith.constant 11 : i32
      %shift_left3A_329 = vector.broadcast %shift_left3A_328 : i32 to vector<16xi32>
      %shift_left3A_330 = arith.shli %select_n3A_327, %shift_left3A_329 : vector<16xi32>
      %or3A_331 = arith.ori %or3A_305, %shift_left3A_330 : vector<16xi32>
      %jit3A_332 = arith.constant 1 : i32
      %jit3A_333 = arith.constant 0 : i32
      %broadcast_in_dim3A_334 = vector.broadcast %jit3A_332 : i32 to vector<16xi32>
      %broadcast_in_dim3A_335 = vector.broadcast %jit3A_333 : i32 to vector<16xi32>
      %select_n3A_336 = arith.select %eq3A_319, %broadcast_in_dim3A_334, %broadcast_in_dim3A_335 : vector<16xi1>, vector<16xi32>
      %add3A_337 = arith.addi %add3A_311, %select_n3A_336 : vector<16xi32>
      %add3A_338 = arith.constant 12 : i32
      %add3A_339 = arith.addi %mul3A_30, %add3A_338 : i32
      %get3A_340 = arith.index_cast %add3A_339 : i32 to index
      %get3A_341 = arith.constant 0 : index
      %get3A_342 = tpu.vector_load %arg4[%get3A_340, %get3A_341] {strides = array<i32>} : memref<256x16xi32, #tpu.memory_space<vmem>>, vector<1x16xi32>,
      %get3A_343 = vector.shape_cast %get3A_342 : vector<1x16xi32> to vector<16xi32>
      %lt3A_344 = arith.cmpi slt, %get3A_343, %scan3A_11#0 : vector<16xi32>
      %eq3A_345 = arith.cmpi eq, %get3A_343, %scan3A_11#0 : vector<16xi32>
      %lt3A_346 = arith.cmpi slt, %add3A_337, %sub3A_14 : vector<16xi32>
      %and3A_347 = arith.andi %eq3A_345, %lt3A_346 : vector<16xi1>
      %or3A_348 = arith.ori %lt3A_344, %and3A_347 : vector<16xi1>
      %jit3A_349 = arith.constant 1 : i32
      %jit3A_350 = arith.constant 0 : i32
      %broadcast_in_dim3A_351 = vector.broadcast %jit3A_349 : i32 to vector<16xi32>
      %broadcast_in_dim3A_352 = vector.broadcast %jit3A_350 : i32 to vector<16xi32>
      %select_n3A_353 = arith.select %or3A_348, %broadcast_in_dim3A_351, %broadcast_in_dim3A_352 : vector<16xi1>, vector<16xi32>
      %shift_left3A_354 = arith.constant 12 : i32
      %shift_left3A_355 = vector.broadcast %shift_left3A_354 : i32 to vector<16xi32>
      %shift_left3A_356 = arith.shli %select_n3A_353, %shift_left3A_355 : vector<16xi32>
      %or3A_357 = arith.ori %or3A_331, %shift_left3A_356 : vector<16xi32>
      %jit3A_358 = arith.constant 1 : i32
      %jit3A_359 = arith.constant 0 : i32
      %broadcast_in_dim3A_360 = vector.broadcast %jit3A_358 : i32 to vector<16xi32>
      %broadcast_in_dim3A_361 = vector.broadcast %jit3A_359 : i32 to vector<16xi32>
      %select_n3A_362 = arith.select %eq3A_345, %broadcast_in_dim3A_360, %broadcast_in_dim3A_361 : vector<16xi1>, vector<16xi32>
      %add3A_363 = arith.addi %add3A_337, %select_n3A_362 : vector<16xi32>
      %add3A_364 = arith.constant 13 : i32
      %add3A_365 = arith.addi %mul3A_30, %add3A_364 : i32
      %get3A_366 = arith.index_cast %add3A_365 : i32 to index
      %get3A_367 = arith.constant 0 : index
      %get3A_368 = tpu.vector_load %arg4[%get3A_366, %get3A_367] {strides = array<i32>} : memref<256x16xi32, #tpu.memory_space<vmem>>, vector<1x16xi32>,
      %get3A_369 = vector.shape_cast %get3A_368 : vector<1x16xi32> to vector<16xi32>
      %lt3A_370 = arith.cmpi slt, %get3A_369, %scan3A_11#0 : vector<16xi32>
      %eq3A_371 = arith.cmpi eq, %get3A_369, %scan3A_11#0 : vector<16xi32>
      %lt3A_372 = arith.cmpi slt, %add3A_363, %sub3A_14 : vector<16xi32>
      %and3A_373 = arith.andi %eq3A_371, %lt3A_372 : vector<16xi1>
      %or3A_374 = arith.ori %lt3A_370, %and3A_373 : vector<16xi1>
      %jit3A_375 = arith.constant 1 : i32
      %jit3A_376 = arith.constant 0 : i32
      %broadcast_in_dim3A_377 = vector.broadcast %jit3A_375 : i32 to vector<16xi32>
      %broadcast_in_dim3A_378 = vector.broadcast %jit3A_376 : i32 to vector<16xi32>
      %select_n3A_379 = arith.select %or3A_374, %broadcast_in_dim3A_377, %broadcast_in_dim3A_378 : vector<16xi1>, vector<16xi32>
      %shift_left3A_380 = arith.constant 13 : i32
      %shift_left3A_381 = vector.broadcast %shift_left3A_380 : i32 to vector<16xi32>
      %shift_left3A_382 = arith.shli %select_n3A_379, %shift_left3A_381 : vector<16xi32>
      %or3A_383 = arith.ori %or3A_357, %shift_left3A_382 : vector<16xi32>
      %jit3A_384 = arith.constant 1 : i32
      %jit3A_385 = arith.constant 0 : i32
      %broadcast_in_dim3A_386 = vector.broadcast %jit3A_384 : i32 to vector<16xi32>
      %broadcast_in_dim3A_387 = vector.broadcast %jit3A_385 : i32 to vector<16xi32>
      %select_n3A_388 = arith.select %eq3A_371, %broadcast_in_dim3A_386, %broadcast_in_dim3A_387 : vector<16xi1>, vector<16xi32>
      %add3A_389 = arith.addi %add3A_363, %select_n3A_388 : vector<16xi32>
      %add3A_390 = arith.constant 14 : i32
      %add3A_391 = arith.addi %mul3A_30, %add3A_390 : i32
      %get3A_392 = arith.index_cast %add3A_391 : i32 to index
      %get3A_393 = arith.constant 0 : index
      %get3A_394 = tpu.vector_load %arg4[%get3A_392, %get3A_393] {strides = array<i32>} : memref<256x16xi32, #tpu.memory_space<vmem>>, vector<1x16xi32>,
      %get3A_395 = vector.shape_cast %get3A_394 : vector<1x16xi32> to vector<16xi32>
      %lt3A_396 = arith.cmpi slt, %get3A_395, %scan3A_11#0 : vector<16xi32>
      %eq3A_397 = arith.cmpi eq, %get3A_395, %scan3A_11#0 : vector<16xi32>
      %lt3A_398 = arith.cmpi slt, %add3A_389, %sub3A_14 : vector<16xi32>
      %and3A_399 = arith.andi %eq3A_397, %lt3A_398 : vector<16xi1>
      %or3A_400 = arith.ori %lt3A_396, %and3A_399 : vector<16xi1>
      %jit3A_401 = arith.constant 1 : i32
      %jit3A_402 = arith.constant 0 : i32
      %broadcast_in_dim3A_403 = vector.broadcast %jit3A_401 : i32 to vector<16xi32>
      %broadcast_in_dim3A_404 = vector.broadcast %jit3A_402 : i32 to vector<16xi32>
      %select_n3A_405 = arith.select %or3A_400, %broadcast_in_dim3A_403, %broadcast_in_dim3A_404 : vector<16xi1>, vector<16xi32>
      %shift_left3A_406 = arith.constant 14 : i32
      %shift_left3A_407 = vector.broadcast %shift_left3A_406 : i32 to vector<16xi32>
      %shift_left3A_408 = arith.shli %select_n3A_405, %shift_left3A_407 : vector<16xi32>
      %or3A_409 = arith.ori %or3A_383, %shift_left3A_408 : vector<16xi32>
      %jit3A_410 = arith.constant 1 : i32
      %jit3A_411 = arith.constant 0 : i32
      %broadcast_in_dim3A_412 = vector.broadcast %jit3A_410 : i32 to vector<16xi32>
      %broadcast_in_dim3A_413 = vector.broadcast %jit3A_411 : i32 to vector<16xi32>
      %select_n3A_414 = arith.select %eq3A_397, %broadcast_in_dim3A_412, %broadcast_in_dim3A_413 : vector<16xi1>, vector<16xi32>
      %add3A_415 = arith.addi %add3A_389, %select_n3A_414 : vector<16xi32>
      %add3A_416 = arith.constant 15 : i32
      %add3A_417 = arith.addi %mul3A_30, %add3A_416 : i32
      %get3A_418 = arith.index_cast %add3A_417 : i32 to index
      %get3A_419 = arith.constant 0 : index
      %get3A_420 = tpu.vector_load %arg4[%get3A_418, %get3A_419] {strides = array<i32>} : memref<256x16xi32, #tpu.memory_space<vmem>>, vector<1x16xi32>,
      %get3A_421 = vector.shape_cast %get3A_420 : vector<1x16xi32> to vector<16xi32>
      %lt3A_422 = arith.cmpi slt, %get3A_421, %scan3A_11#0 : vector<16xi32>
      %eq3A_423 = arith.cmpi eq, %get3A_421, %scan3A_11#0 : vector<16xi32>
      %lt3A_424 = arith.cmpi slt, %add3A_415, %sub3A_14 : vector<16xi32>
      %and3A_425 = arith.andi %eq3A_423, %lt3A_424 : vector<16xi1>
      %or3A_426 = arith.ori %lt3A_422, %and3A_425 : vector<16xi1>
      %jit3A_427 = arith.constant 1 : i32
      %jit3A_428 = arith.constant 0 : i32
      %broadcast_in_dim3A_429 = vector.broadcast %jit3A_427 : i32 to vector<16xi32>
      %broadcast_in_dim3A_430 = vector.broadcast %jit3A_428 : i32 to vector<16xi32>
      %select_n3A_431 = arith.select %or3A_426, %broadcast_in_dim3A_429, %broadcast_in_dim3A_430 : vector<16xi1>, vector<16xi32>
      %shift_left3A_432 = arith.constant 15 : i32
      %shift_left3A_433 = vector.broadcast %shift_left3A_432 : i32 to vector<16xi32>
      %shift_left3A_434 = arith.shli %select_n3A_431, %shift_left3A_433 : vector<16xi32>
      %or3A_435 = arith.ori %or3A_409, %shift_left3A_434 : vector<16xi32>
      %jit3A_436 = arith.constant 1 : i32
      %jit3A_437 = arith.constant 0 : i32
      %broadcast_in_dim3A_438 = vector.broadcast %jit3A_436 : i32 to vector<16xi32>
      %broadcast_in_dim3A_439 = vector.broadcast %jit3A_437 : i32 to vector<16xi32>
      %select_n3A_440 = arith.select %eq3A_423, %broadcast_in_dim3A_438, %broadcast_in_dim3A_439 : vector<16xi1>, vector<16xi32>
      %add3A_441 = arith.addi %add3A_415, %select_n3A_440 : vector<16xi32>
      %shift_right_arithmetic3A_442 = arith.constant 3 : i32
      %shift_right_arithmetic3A_443 = arith.shrsi %scan3A_27, %shift_right_arithmetic3A_442 : i32
      %and3A_444 = arith.constant 7 : i32
      %and3A_445 = arith.andi %scan3A_27, %and3A_444 : i32
      %swap3A = arith.index_cast %shift_right_arithmetic3A_443 : i32 to index
      %swap3A_446 = arith.index_cast %and3A_445 : i32 to index
      %swap3A_447 = arith.constant 0 : index
      %swap3A_448 = tpu.vector_load %arg5[%swap3A, %swap3A_446, %swap3A_447] {strides = array<i32>} : memref<2x8x16xi32, #tpu.memory_space<vmem>>, vector<1x1x16xi32>,
      %swap3A_449 = vector.shape_cast %swap3A_448 : vector<1x1x16xi32> to vector<16xi32>
      %swap3A_450 = vector.shape_cast %or3A_435 : vector<16xi32> to vector<1x1x16xi32>
      tpu.vector_store %arg5[%swap3A, %swap3A_446, %swap3A_447], %swap3A_450 {strides = array<i32>} : memref<2x8x16xi32, #tpu.memory_space<vmem>>, vector<1x1x16xi32>,
      scf.yield %add3A_441 : vector<16xi32>
    }
    %scan3A_22 = arith.constant 16 : i32
    %shift_right_arithmetic3A = arith.constant 3 : i32
    %shift_right_arithmetic3A_23 = arith.shrsi %arg1, %shift_right_arithmetic3A : i32
    %and3A = arith.constant 7 : i32
    %and3A_24 = arith.andi %arg1, %and3A : i32
    %mul3A_25 = arith.constant 16 : i32
    %mul3A_26 = arith.muli %and3A_24, %mul3A_25 : i32
    "tpu.region"() ({
      %run_scoped3A = tpu.sem_alloc : memref<!tpu.dma_semaphore, #tpu.memory_space<semaphore_mem>>
      %dma_start3A = arith.constant 0 : i32
      %dma_start3A_27 = arith.constant 0 : i32
      %dma_start3A_28 = tpu.memref_slice %arg3[%arg0, %dma_start3A, %shift_right_arithmetic3A_23, %dma_start3A_27, %mul3A_26] : memref<2x2x2x8x128xi32, #tpu.memory_space<hbm>> -> memref<1x2x1x8x16xi32, #tpu.memory_space<hbm>>
      %dma_start3A_29 = tpu.memref_squeeze %dma_start3A_28 : memref<1x2x1x8x16xi32, #tpu.memory_space<hbm>> -> memref<2x8x16xi32, #tpu.memory_space<hbm>>
      %dma_start3A_30 = arith.constant 0 : i32
      %dma_start3A_31 = arith.constant 0 : i32
      %dma_start3A_32 = tpu.memref_slice %arg3[%arg0, %dma_start3A_30, %shift_right_arithmetic3A_23, %dma_start3A_31, %mul3A_26] : memref<2x2x2x8x128xi32, #tpu.memory_space<hbm>> -> memref<1x2x1x8x16xi32, #tpu.memory_space<hbm>>
      %dma_start3A_33 = tpu.memref_squeeze %dma_start3A_32 : memref<1x2x1x8x16xi32, #tpu.memory_space<hbm>> -> memref<2x8x16xi32, #tpu.memory_space<hbm>>
      tpu.enqueue_dma source(%arg5 : memref<2x8x16xi32, #tpu.memory_space<vmem>>) target(%dma_start3A_33 : memref<2x8x16xi32, #tpu.memory_space<hbm>>) target_semaphore(%run_scoped3A : memref<!tpu.dma_semaphore, #tpu.memory_space<semaphore_mem>>)
      %dma_wait3A = arith.constant 0 : i32
      %dma_wait3A_34 = arith.constant 0 : i32
      %dma_wait3A_35 = tpu.memref_slice %arg3[%arg0, %dma_wait3A, %shift_right_arithmetic3A_23, %dma_wait3A_34, %mul3A_26] : memref<2x2x2x8x128xi32, #tpu.memory_space<hbm>> -> memref<1x2x1x8x16xi32, #tpu.memory_space<hbm>>
      %dma_wait3A_36 = tpu.memref_squeeze %dma_wait3A_35 : memref<1x2x1x8x16xi32, #tpu.memory_space<hbm>> -> memref<2x8x16xi32, #tpu.memory_space<hbm>>
      %dma_wait3A_37 = arith.constant 0 : i32
      %dma_wait3A_38 = arith.constant 0 : i32
      %dma_wait3A_39 = tpu.memref_slice %arg3[%arg0, %dma_wait3A_37, %shift_right_arithmetic3A_23, %dma_wait3A_38, %mul3A_26] : memref<2x2x2x8x128xi32, #tpu.memory_space<hbm>> -> memref<1x2x1x8x16xi32, #tpu.memory_space<hbm>>
      %dma_wait3A_40 = tpu.memref_squeeze %dma_wait3A_39 : memref<1x2x1x8x16xi32, #tpu.memory_space<hbm>> -> memref<2x8x16xi32, #tpu.memory_space<hbm>>
      tpu.wait_dma2 semaphore(%run_scoped3A : memref<!tpu.dma_semaphore, #tpu.memory_space<semaphore_mem>>) src(%arg5 : memref<2x8x16xi32, #tpu.memory_space<vmem>>) dst(%dma_wait3A_40 : memref<2x8x16xi32, #tpu.memory_space<hbm>>)
      tpu.yield
    }) : () -> ()
    return
  }
}

module attributes {stable_mosaic.version = 14 : i64} {
  func.func @_tc_colsum_body(%arg0: memref<256x256xf32, #tpu.memory_space<vmem>>, %arg1: memref<256x256xf32, #tpu.memory_space<vmem>>, %arg2: memref<1x256xf32, #tpu.memory_space<vmem>>) attributes {dimension_semantics = [], scalar_prefetch = 0 : i64, scratch_operands = 0 : i64, tpu.core_type = #tpu.core_type<tc>} {
    %get3A = arith.constant 0 : index
    %get3A_0 = arith.constant 0 : index
    %get3A_1 = vector.load %arg0[%get3A, %get3A_0] : memref<256x256xf32, #tpu.memory_space<vmem>>, vector<256x256xf32>
    %get3A_2 = arith.constant 0 : index
    %get3A_3 = arith.constant 0 : index
    %get3A_4 = vector.load %arg1[%get3A_2, %get3A_3] : memref<256x256xf32, #tpu.memory_space<vmem>>, vector<256x256xf32>
    %pow3A = arith.constant 1.000000e-01 : f32
    %pow3A_5 = vector.broadcast %pow3A : f32 to vector<256x256xf32>
    %pow3A_6 = math.powf %get3A_1, %pow3A_5 : vector<256x256xf32>
    %pow3A_7 = arith.constant 1.000000e-01 : f32
    %pow3A_8 = vector.broadcast %pow3A_7 : f32 to vector<256x256xf32>
    %pow3A_9 = math.powf %get3A_4, %pow3A_8 : vector<256x256xf32>
    %add3A = arith.addf %pow3A_6, %pow3A_9 : vector<256x256xf32>
    %div3A = arith.constant 2.000000e+00 : f32
    %div3A_10 = vector.broadcast %div3A : f32 to vector<256x256xf32>
    %div3A_11 = arith.divf %div3A_10, %add3A : vector<256x256xf32>
    %reduce_sum3A = arith.constant dense<0.000000e+00> : vector<256xf32>
    %reduce_sum3A_12 = vector.multi_reduction <add>, %div3A_11, %reduce_sum3A [0] : vector<256x256xf32> to vector<256xf32>
    %broadcast_in_dim3A = vector.shape_cast %reduce_sum3A_12 : vector<256xf32> to vector<1x256xf32>
    %swap3A = arith.constant 0 : index
    %swap3A_13 = arith.constant 0 : index
    %swap3A_14 = vector.load %arg2[%swap3A, %swap3A_13] : memref<1x256xf32, #tpu.memory_space<vmem>>, vector<1x256xf32>
    tpu.vector_store %arg2[%swap3A, %swap3A_13], %broadcast_in_dim3A {strides = array<i32>} : memref<1x256xf32, #tpu.memory_space<vmem>>, vector<1x256xf32>,
    return
  }
}

module attributes {stable_mosaic.version = 14 : i64} {
  func.func @_tc_combine_body(%arg0: memref<1x256xf32, #tpu.memory_space<vmem>>, %arg1: memref<2x2x2x8x128xi32, #tpu.memory_space<vmem>>, %arg2: memref<1x1xf32, #tpu.memory_space<vmem>>) attributes {dimension_semantics = [], scalar_prefetch = 0 : i64, scratch_operands = 0 : i64, tpu.core_type = #tpu.core_type<tc>} {
    %get3A = arith.constant 0 : index
    %get3A_0 = arith.constant 0 : index
    %get3A_1 = vector.load %arg0[%get3A, %get3A_0] : memref<1x256xf32, #tpu.memory_space<vmem>>, vector<1x256xf32>
    %iota3A = tpu.iota {dimensions = array<i32: 0>} : vector<256x16xi32>
    %iota3A_2 = tpu.iota {dimensions = array<i32: 1>} : vector<256x16xi32>
    %shift_right_arithmetic3A = arith.constant 4 : i32
    %shift_right_arithmetic3A_3 = vector.broadcast %shift_right_arithmetic3A : i32 to vector<256x16xi32>
    %shift_right_arithmetic3A_4 = arith.shrsi %iota3A, %shift_right_arithmetic3A_3 : vector<256x16xi32>
    %eq3A = arith.cmpi eq, %shift_right_arithmetic3A_4, %iota3A_2 : vector<256x16xi32>
    %jit3A = arith.constant 1.000000e+00 : f32
    %jit3A_5 = arith.constant 0.000000e+00 : f32
    %broadcast_in_dim3A = vector.broadcast %jit3A : f32 to vector<256x16xf32>
    %broadcast_in_dim3A_6 = vector.broadcast %jit3A_5 : f32 to vector<256x16xf32>
    %select_n3A = arith.select %eq3A, %broadcast_in_dim3A, %broadcast_in_dim3A_6 : vector<256x16xi1>, vector<256x16xf32>
    %iota3A_7 = tpu.iota {dimensions = array<i32: 0>} : vector<256x256xi32>
    %and3A = arith.constant 15 : i32
    %and3A_8 = vector.broadcast %and3A : i32 to vector<256x256xi32>
    %and3A_9 = arith.andi %iota3A_7, %and3A_8 : vector<256x256xi32>
    %broadcast_in_dim3A_10 = arith.constant 1.000000e+00 : f32
    %broadcast_in_dim3A_11 = vector.broadcast %broadcast_in_dim3A_10 : f32 to vector<1x256xf32>
    %get3A_12 = arith.constant 0 : index
    %get3A_13 = arith.constant 0 : index
    %get3A_14 = arith.constant 0 : index
    %get3A_15 = arith.constant 0 : index
    %get3A_16 = arith.constant 0 : index
    %get3A_17 = vector.load %arg1[%get3A_12, %get3A_13, %get3A_14, %get3A_15, %get3A_16] : memref<2x2x2x8x128xi32, #tpu.memory_space<vmem>>, vector<1x2x2x8x128xi32>
    %get3A_18 = vector.shape_cast %get3A_17 : vector<1x2x2x8x128xi32> to vector<2x2x8x128xi32>
    %slice3A = vector.extract_strided_slice %get3A_18 {offsets = [0, 0, 0, 0], sizes = [1, 1, 8, 128], strides = [1, 1, 1, 1]} : vector<2x2x8x128xi32> to vector<1x1x8x128xi32>
    %squeeze3A = vector.shape_cast %slice3A : vector<1x1x8x128xi32> to vector<8x128xi32>
    %slice3A_19 = vector.extract_strided_slice %get3A_18 {offsets = [0, 1, 0, 0], sizes = [1, 1, 8, 128], strides = [1, 1, 1, 1]} : vector<2x2x8x128xi32> to vector<1x1x8x128xi32>
    %squeeze3A_20 = vector.shape_cast %slice3A_19 : vector<1x1x8x128xi32> to vector<8x128xi32>
    %concatenate3A = tpu.concatenate %squeeze3A, %squeeze3A_20 in 1 : vector<8x128xi32>, vector<8x128xi32> -> vector<8x256xi32>
    %slice3A_21 = vector.extract_strided_slice %get3A_18 {offsets = [1, 0, 0, 0], sizes = [1, 1, 8, 128], strides = [1, 1, 1, 1]} : vector<2x2x8x128xi32> to vector<1x1x8x128xi32>
    %squeeze3A_22 = vector.shape_cast %slice3A_21 : vector<1x1x8x128xi32> to vector<8x128xi32>
    %slice3A_23 = vector.extract_strided_slice %get3A_18 {offsets = [1, 1, 0, 0], sizes = [1, 1, 8, 128], strides = [1, 1, 1, 1]} : vector<2x2x8x128xi32> to vector<1x1x8x128xi32>
    %squeeze3A_24 = vector.shape_cast %slice3A_23 : vector<1x1x8x128xi32> to vector<8x128xi32>
    %concatenate3A_25 = tpu.concatenate %squeeze3A_22, %squeeze3A_24 in 1 : vector<8x128xi32>, vector<8x128xi32> -> vector<8x256xi32>
    %concatenate3A_26 = tpu.concatenate %concatenate3A, %concatenate3A_25 in 0 : vector<8x256xi32>, vector<8x256xi32> -> vector<16x256xi32>
    %convert_element_type3A = arith.sitofp %concatenate3A_26 : vector<16x256xi32> to vector<16x256xf32>
    %dot_general3A = arith.constant dense<0.000000e+00> : vector<256x256xf32>
    %dot_general3A_27 = tpu.matmul %select_n3A, %convert_element_type3A, %dot_general3A {dimension_numbers = #tpu.dot_dimension_numbers<[1], [0], [0], [1], [0, 0, 1, 1], [], []>, transpose_lhs_hint = false} : vector<256x16xf32>, vector<16x256xf32>, vector<256x256xf32> -> vector<256x256xf32>
    %convert_element_type3A_28 = arith.fptosi %dot_general3A_27 : vector<256x256xf32> to vector<256x256xi32>
    %shift_right_arithmetic3A_29 = arith.shrsi %convert_element_type3A_28, %and3A_9 : vector<256x256xi32>
    %and3A_30 = arith.constant 1 : i32
    %and3A_31 = vector.broadcast %and3A_30 : i32 to vector<256x256xi32>
    %and3A_32 = arith.andi %shift_right_arithmetic3A_29, %and3A_31 : vector<256x256xi32>
    %convert_element_type3A_33 = arith.sitofp %and3A_32 : vector<256x256xi32> to vector<256x256xf32>
    %dot_general3A_34 = arith.constant dense<0.000000e+00> : vector<1x256xf32>
    %dot_general3A_35 = tpu.matmul %broadcast_in_dim3A_11, %convert_element_type3A_33, %dot_general3A_34 {dimension_numbers = #tpu.dot_dimension_numbers<[1], [1], [0], [0], [0, 0, 1, 0], [], []>, transpose_lhs_hint = false} : vector<1x256xf32>, vector<256x256xf32>, vector<1x256xf32> -> vector<1x256xf32>
    %get3A_36 = arith.constant 1 : index
    %get3A_37 = arith.constant 0 : index
    %get3A_38 = arith.constant 0 : index
    %get3A_39 = arith.constant 0 : index
    %get3A_40 = arith.constant 0 : index
    %get3A_41 = vector.load %arg1[%get3A_36, %get3A_37, %get3A_38, %get3A_39, %get3A_40] : memref<2x2x2x8x128xi32, #tpu.memory_space<vmem>>, vector<1x2x2x8x128xi32>
    %get3A_42 = vector.shape_cast %get3A_41 : vector<1x2x2x8x128xi32> to vector<2x2x8x128xi32>
    %slice3A_43 = vector.extract_strided_slice %get3A_42 {offsets = [0, 0, 0, 0], sizes = [1, 1, 8, 128], strides = [1, 1, 1, 1]} : vector<2x2x8x128xi32> to vector<1x1x8x128xi32>
    %squeeze3A_44 = vector.shape_cast %slice3A_43 : vector<1x1x8x128xi32> to vector<8x128xi32>
    %slice3A_45 = vector.extract_strided_slice %get3A_42 {offsets = [0, 1, 0, 0], sizes = [1, 1, 8, 128], strides = [1, 1, 1, 1]} : vector<2x2x8x128xi32> to vector<1x1x8x128xi32>
    %squeeze3A_46 = vector.shape_cast %slice3A_45 : vector<1x1x8x128xi32> to vector<8x128xi32>
    %concatenate3A_47 = tpu.concatenate %squeeze3A_44, %squeeze3A_46 in 1 : vector<8x128xi32>, vector<8x128xi32> -> vector<8x256xi32>
    %slice3A_48 = vector.extract_strided_slice %get3A_42 {offsets = [1, 0, 0, 0], sizes = [1, 1, 8, 128], strides = [1, 1, 1, 1]} : vector<2x2x8x128xi32> to vector<1x1x8x128xi32>
    %squeeze3A_49 = vector.shape_cast %slice3A_48 : vector<1x1x8x128xi32> to vector<8x128xi32>
    %slice3A_50 = vector.extract_strided_slice %get3A_42 {offsets = [1, 1, 0, 0], sizes = [1, 1, 8, 128], strides = [1, 1, 1, 1]} : vector<2x2x8x128xi32> to vector<1x1x8x128xi32>
    %squeeze3A_51 = vector.shape_cast %slice3A_50 : vector<1x1x8x128xi32> to vector<8x128xi32>
    %concatenate3A_52 = tpu.concatenate %squeeze3A_49, %squeeze3A_51 in 1 : vector<8x128xi32>, vector<8x128xi32> -> vector<8x256xi32>
    %concatenate3A_53 = tpu.concatenate %concatenate3A_47, %concatenate3A_52 in 0 : vector<8x256xi32>, vector<8x256xi32> -> vector<16x256xi32>
    %convert_element_type3A_54 = arith.sitofp %concatenate3A_53 : vector<16x256xi32> to vector<16x256xf32>
    %dot_general3A_55 = arith.constant dense<0.000000e+00> : vector<256x256xf32>
    %dot_general3A_56 = tpu.matmul %select_n3A, %convert_element_type3A_54, %dot_general3A_55 {dimension_numbers = #tpu.dot_dimension_numbers<[1], [0], [0], [1], [0, 0, 1, 1], [], []>, transpose_lhs_hint = false} : vector<256x16xf32>, vector<16x256xf32>, vector<256x256xf32> -> vector<256x256xf32>
    %convert_element_type3A_57 = arith.fptosi %dot_general3A_56 : vector<256x256xf32> to vector<256x256xi32>
    %shift_right_arithmetic3A_58 = arith.shrsi %convert_element_type3A_57, %and3A_9 : vector<256x256xi32>
    %and3A_59 = arith.constant 1 : i32
    %and3A_60 = vector.broadcast %and3A_59 : i32 to vector<256x256xi32>
    %and3A_61 = arith.andi %shift_right_arithmetic3A_58, %and3A_60 : vector<256x256xi32>
    %convert_element_type3A_62 = arith.sitofp %and3A_61 : vector<256x256xi32> to vector<256x256xf32>
    %dot_general3A_63 = arith.constant dense<0.000000e+00> : vector<1x256xf32>
    %dot_general3A_64 = tpu.matmul %broadcast_in_dim3A_11, %convert_element_type3A_62, %dot_general3A_63 {dimension_numbers = #tpu.dot_dimension_numbers<[1], [1], [0], [0], [0, 0, 1, 0], [], []>, transpose_lhs_hint = false} : vector<1x256xf32>, vector<256x256xf32>, vector<1x256xf32> -> vector<1x256xf32>
    %gt3A = arith.constant 0.000000e+00 : f32
    %gt3A_65 = vector.broadcast %gt3A : f32 to vector<1x256xf32>
    %gt3A_66 = arith.cmpf ogt, %dot_general3A_35, %gt3A_65 : vector<1x256xf32>
    %gt3A_67 = arith.constant 0.000000e+00 : f32
    %gt3A_68 = vector.broadcast %gt3A_67 : f32 to vector<1x256xf32>
    %gt3A_69 = arith.cmpf ogt, %dot_general3A_64, %gt3A_68 : vector<1x256xf32>
    %and3A_70 = arith.andi %gt3A_66, %gt3A_69 : vector<1x256xi1>
    %jit3A_71 = arith.constant 1.000000e+00 : f32
    %jit3A_72 = arith.constant 0.000000e+00 : f32
    %broadcast_in_dim3A_73 = vector.broadcast %jit3A_71 : f32 to vector<1x256xf32>
    %broadcast_in_dim3A_74 = vector.broadcast %jit3A_72 : f32 to vector<1x256xf32>
    %select_n3A_75 = arith.select %and3A_70, %broadcast_in_dim3A_73, %broadcast_in_dim3A_74 : vector<1x256xi1>, vector<1x256xf32>
    %reduce_sum3A = vector.shape_cast %select_n3A_75 : vector<1x256xf32> to vector<1x1x256xf32>
    %reduce_sum3A_76 = arith.constant dense<0.000000e+00> : vector<1xf32>
    %reduce_sum3A_77 = vector.multi_reduction <add>, %reduce_sum3A, %reduce_sum3A_76 [1, 2] : vector<1x1x256xf32> to vector<1xf32>
    %reduce_sum3A_78 = vector.shape_cast %reduce_sum3A_77 : vector<1xf32> to vector<1x1x1xf32>
    %reduce_sum3A_79 = vector.extract %reduce_sum3A_78[0, 0, 0] : f32 from vector<1x1x1xf32>
    %mul3A = arith.constant 2.560000e+02 : f32
    %mul3A_80 = vector.broadcast %mul3A : f32 to vector<1x256xf32>
    %mul3A_81 = arith.mulf %mul3A_80, %select_n3A_75 : vector<1x256xf32>
    %add3A = vector.broadcast %reduce_sum3A_79 : f32 to vector<1x256xf32>
    %add3A_82 = arith.addf %mul3A_81, %add3A : vector<1x256xf32>
    %mul3A_83 = arith.mulf %get3A_1, %add3A_82 : vector<1x256xf32>
    %reduce_sum3A_84 = vector.shape_cast %mul3A_83 : vector<1x256xf32> to vector<1x1x256xf32>
    %reduce_sum3A_85 = arith.constant dense<0.000000e+00> : vector<1xf32>
    %reduce_sum3A_86 = vector.multi_reduction <add>, %reduce_sum3A_84, %reduce_sum3A_85 [1, 2] : vector<1x1x256xf32> to vector<1xf32>
    %reduce_sum3A_87 = vector.shape_cast %reduce_sum3A_86 : vector<1xf32> to vector<1x1x1xf32>
    %reduce_sum3A_88 = vector.extract %reduce_sum3A_87[0, 0, 0] : f32 from vector<1x1x1xf32>
    %broadcast_in_dim3A_89 = vector.broadcast %reduce_sum3A_88 : f32 to vector<1x1xf32>
    %swap3A = arith.constant 0 : index
    %swap3A_90 = arith.constant 0 : index
    %swap3A_91 = vector.load %arg2[%swap3A, %swap3A_90] : memref<1x1xf32, #tpu.memory_space<vmem>>, vector<1x1xf32>
    tpu.vector_store %arg2[%swap3A, %swap3A_90], %broadcast_in_dim3A_89 {strides = array<i32>} : memref<1x1xf32, #tpu.memory_space<vmem>>, vector<1x1xf32>,
    return
  }
}

</mosaic_0001>

<sc_bundles>
// kernel: kernel.5.cloned.1.call-start
scs
__scs_entry_jumppad:
0x0: {  	(pc) =	sbr.rel $0x88, $3  }
0x1: {  	(tag) =	ssettag $0x0;
	lr =	simm.s32 $0x1  }
0x2: {  	[smem:$0x3F9F] =	sst lr;
	_ =	strace $0xD0000000  }
0x3: {  	_ = 	snop  }
0x4: {  	_ = 	snop  }
0x5: {  	_ = 	snop  }
0x6: {  	_ = 	snop  }
0x7: {  	_ = 	snop  }
__scs_overlays_trampoline_lowered:
0x8: {  	[smem:$0x3FAE] =	sst s0  }
0x9: {  	[smem:$0x3FAF] =	sst s1  }
0xa: {  	[smem:$0x3FB0] =	sst s2  }
0xb: {  	[smem:$0x3FB1] =	sst s3  }
0xc: {  	[smem:$0x3FB2] =	sst s4  }
0xd: {  	[smem:$0x3FB3] =	sst s5  }
0xe: {  	[smem:$0x3FB4] =	sst s6  }
0xf: {  	[smem:$0x3FB5] =	sst s7  }
0x10: {  	[smem:$0x3FB6] =	sst s8  }
0x11: {  	[smem:$0x3FB7] =	sst s9;
	s0 =	simm.s32 @!p0 $0x0  }
0x12: {  	s1 =	sld [smem:$0x3F9D];
	s0 =	simm.s32 @p0 $0x1  }
0x13: {  	[smem:$0x3FB8] =	sst s0;
	s0 =	simm.s32 @!p1 $0x0  }
0x14: {  	s2 =	sld [smem:$0x3F9C];
	s0 =	simm.s32 @p1 $0x1  }
0x15: {  	[smem:$0x3FB9] =	sst s0;
	s0 =	simm.s32 @!p2 $0x0  }
0x16: {  	s3 =	sld [smem:$0x3FDB];
	s0 =	simm.s32 @p2 $0x1  }
0x17: {  	s4 =	simm.s32 $0x1BF5;
	[smem:$0x3FBB] =	sst s0  }
0x18: {  	s0 =	sld [smem:$0x3F9E];
	_ =	swait.ge [sflag:s4], $0x0  }
0x19: {  	s7 =	sld [smem:$0x3F9F]  }
0x1a: {  	s8 =	sadd.s32 $0xFFFFE003, lr  }
0x1b: {  	s9 =	sadd.s32 $0xFFFFFEF7, lr;
	s5 =	simm.s32 $0xFFFFFFFF;
	p2 =	slt.u32 s8, $0xFFFFF086  }
0x1c: {  	p1 =	slt.u32 s9, $0xF7A;
	s5 =	simm.s32 @!p2 $0x0  }
0x1d: {  	s5 =	simm.s32 @p1 $0x1;
	p0 =	seq.s32 s7, s2  }
0x1e: {  	s7 =	smul.u32 @!p0 $0xF7A, s2;
	p2 =	seq.s32 @!p0 s5, $0x0  }
0x1f: {  	s9 =	smul.u32 $0xF7A, s1;
	s8 =	simm.s32 @!p0 $0x1BF5;
	p2 =	por !p2, p0  }
0x20: {  	[sflag:s8] =	ssyncset.s32 @!p0 $0xFFFFF086;
	s6 =	sadd.s32 @!p0 s3, s7;
	s7 =	simm.s32 @!p0 $0x108  }
0x21: {  	s3 =	sadd.s32 s3, s9;
	s6 =	sadd.s32 @!p0 $0x88, s6;
	s7 =	simm.s32 @p2 $0x1082  }
0x22: {  	[simem:s7], [sflag:s8] =	dma.local @!p0 [hbm:s6], $0xF7A  }
0x23: {  	s9 =	sor.u32 $0xD0000000, s2;
	s6 =	simm.s32 $0x108;
	_ =	swait.ge @!p0 [sflag:s8], $0x0  }
0x24: {  	s3 =	sadd.s32 $0x88, s3;
	s6 =	simm.s32 @!p1 $0x1082;
	[sflag:s4] =	ssyncset.s32 $0xFFFFF086  }
0x25: {  	[simem:s6], [sflag:s4] =	dma.local [hbm:s3], $0xF7A  }
0x26: {  	[smem:$0x3F9F] =	sst s1;
	(tag) =	ssettag s2;
	_ =	strace s9  }
0x27: {  	s1 =	sld [smem:$0x3FAF]  }
0x28: {  	s2 =	sld [smem:$0x3FB0]  }
0x29: {  	s4 =	sld [smem:$0x3FB2]  }
0x2a: {  	p0 =	seq.s32 s5, $0x0;
	s5 =	sld [smem:$0x3FB3]  }
0x2b: {  	s6 =	sld [smem:$0x3FB4]  }
0x2c: {  	s7 =	sld [smem:$0x3FB5]  }
0x2d: {  	s3 =	simm.s32 $0x108;
	s8 =	sld [smem:$0x3FB6]  }
0x2e: {  	s3 =	simm.s32 @!p0 $0x1082;
	s9 =	sld [smem:$0x3FB7]  }
0x2f: {  	lr =	sadd.s32 s0, s3;
	s0 =	sld [smem:$0x3FAE]  }
0x30: {  	s3 =	sld [smem:$0x3FB1]  }
0x31: {  	[smem:$0x3FBA] =	sst s10  }
0x32: {  	s10 =	sld [smem:$0x3FB8];
	_ =	sdelay $0x3  }
0x33: {  	p0 =	seq.s32 s10, $0x1;
	s10 =	sld [smem:$0x3FBA];
	_ =	sdelay $0x3  }
0x34: {  	[smem:$0x3FBA] =	sst s10  }
0x35: {  	s10 =	sld [smem:$0x3FB9];
	_ =	sdelay $0x3  }
0x36: {  	p1 =	seq.s32 s10, $0x1;
	s10 =	sld [smem:$0x3FBA];
	_ =	sdelay $0x3  }
0x37: {  	[smem:$0x3FBA] =	sst s10  }
0x38: {  	s10 =	sld [smem:$0x3FBB]  }
0x39: {  	_ = 	snop;
	(pc) =	sbr.ind lr, $3  }
0x3a: {  	_ = 	snop  }
0x3b: {  	_ = 	snop  }
0x3c: {  	p2 =	seq.s32 s10, $0x1;
	s10 =	sld [smem:$0x3FBA]  }
0x3d: {  	_ =	shalt  }
0x3e: {  	_ =	shalt  }
0x3f: {  	_ =	shalt  }
0x40: {  	_ =	shalt  }
0x41: {  	_ =	shalt  }
0x42: {  	_ =	shalt  }
0x43: {  	_ =	shalt  }
0x44: {  	_ =	shalt  }
0x45: {  	_ =	shalt  }
0x46: {  	_ =	shalt  }
0x47: {  	_ =	shalt  }
0x48: {  	_ =	shalt  }
0x49: {  	_ =	shalt  }
0x4a: {  	_ =	shalt  }
0x4b: {  	_ =	shalt  }
0x4c: {  	_ =	shalt  }
0x4d: {  	_ =	shalt  }
0x4e: {  	_ =	shalt  }
0x4f: {  	_ =	shalt  }
0x50: {  	_ =	shalt  }
0x51: {  	_ =	shalt  }
0x52: {  	_ =	shalt  }
0x53: {  	_ =	shalt  }
0x54: {  	_ =	shalt  }
0x55: {  	_ =	shalt  }
0x56: {  	_ =	shalt  }
0x57: {  	_ =	shalt  }
0x58: {  	_ =	shalt  }
0x59: {  	_ =	shalt  }
0x5a: {  	_ =	shalt  }
0x5b: {  	_ =	shalt  }
0x5c: {  	_ =	shalt  }
0x5d: {  	_ =	shalt  }
0x5e: {  	_ =	shalt  }
0x5f: {  	_ =	shalt  }
0x60: {  	_ =	shalt  }
0x61: {  	_ =	shalt  }
0x62: {  	_ =	shalt  }
0x63: {  	_ =	shalt  }
0x64: {  	_ =	shalt  }
0x65: {  	_ =	shalt  }
0x66: {  	_ =	shalt  }
0x67: {  	_ =	shalt  }
0x68: {  	_ =	shalt  }
0x69: {  	_ =	shalt  }
0x6a: {  	_ =	shalt  }
0x6b: {  	_ =	shalt  }
0x6c: {  	_ =	shalt  }
0x6d: {  	_ =	shalt  }
0x6e: {  	_ =	shalt  }
0x6f: {  	_ =	shalt  }
0x70: {  	_ =	shalt  }
0x71: {  	_ =	shalt  }
0x72: {  	_ =	shalt  }
0x73: {  	_ =	shalt  }
0x74: {  	_ =	shalt  }
0x75: {  	_ =	shalt  }
0x76: {  	_ =	shalt  }
0x77: {  	_ =	shalt  }
0x78: {  	_ =	shalt  }
0x79: {  	_ =	shalt  }
0x7a: {  	_ =	shalt  }
0x7b: {  	_ =	shalt  }
0x7c: {  	_ =	shalt  }
0x7d: {  	_ =	shalt  }
0x7e: {  	_ =	shalt  }
0x7f: {  	_ =	shalt  }
0x80: {  	_ =	shalt  }
0x81: {  	_ =	shalt  }
0x82: {  	_ =	shalt  }
0x83: {  	_ =	shalt  }
0x84: {  	_ =	shalt  }
0x85: {  	_ =	shalt  }
0x86: {  	_ =	shalt  }
0x87: {  	_ =	shalt  }
.Lfunc_end0:
.L_simem_size_0:
called_computation_lowered:
.L_overlay_start_0:
0x88: {  	s2 =	sld [smem:$0x3FD9]  }
0x89: {  	s3 =	sld [smem:$0x3FFE];
	_ =	sdelay $0x1  }
0x8a: {  	s1 =	srdreg.scid  }
0x8b: {  	s0 =	sand.u32 $0x1, s1  }
0x8c: {  	s16 =	sshll.u32 s0, $0xA;
	s2 =	sadd.s32 s3, s2  }
0x8d: {  	s2 =	sadd.s32 s2, s16  }
0x8e: {  	[smem:$0x3FC6] =	sst s2  }
0x8f: {  	_ = 	snop  }
0x90: {  	(tm) =	ssettm $0x1  }
0x91: {  	s17 =	sld [smem:$0x3FFB];
	_ =	sdelay $0x3  }
0x92: {  	_ =	strace s17  }
0x93: {  	s2 =	sld [smem:$0x3FFC];
	_ =	sdelay $0x3  }
0x94: {  	_ =	strace s2  }
0x95: {  	s2 =	sld [smem:$0x3FFD];
	_ =	sdelay $0x3  }
0x96: {  	_ =	strace s2  }
0x97: {  	_ =	strace $0x8FFFFFFF  }
0x98: {  	s18 =	sld [smem:$0x3FDB];
	_ =	sdelay $0x1  }
0x99: {  	s19 =	simm.s32 $_scs_section_size  }
0x9a: {  	s4 =	simm.s32 $_size__tile_overlayer_lowered;
	s5 =	simm.s32 $_tile_overlayer_lowered  }
0x9b: {  	s22 =	simm.s32 $0x1BFF;
	s21 =	sshll.u32 s5, $0x1;
	s2 =	sadd.s32 s19, s18  }
0x9c: {  	s6 =	simm.s32 $0x0;
	s20 =	sshll.u32 s4, $0x1;
	s4 =	sadd.s32 s21, s2  }
0x9d: {  	[timem:s6], [sflag:s22] =	dma.local [hbm:s4], s20  }
0x9e: {  	_ =	swait.ge [sflag:s22], s20  }
0x9f: {  	s3 =	ssub.s32 $0x0, s20;
	[sflag:s22] =	ssyncset.done $0x0  }
0xa0: {  	[sflag:s22] =	ssyncadd.s32 s3;
	_ =	sdelay $0x1  }
0xa1: {  	s23 =	simm.s32 $0x1B8B  }
0xa2: {  	_ =	swait.ge [sflag:s23], $0x1  }
0xa3: {  	[sflag:s23] =	ssyncset.done $0x0  }
0xa4: {  	s25 =	simm.s32 $0x1B8E;
	s24 =	sld [smem:$0x3FFE];
	[sflag:s23] =	ssyncadd.s32 $0xFFFFFFFF  }
0xa5: {  	s26 =	simm.s32 $execute0_lowered;
	[smem:$0x3FD2] =	sst s25  }
0xa6: {  	s4 =	sshll.u32 s26, $0x1;
	_ =	strace $0x80000046;
	[dreg:$0x1] =	wrdreg $0xFFFFFFFF  }
0xa7: {  	s28 =	simm.s32 $_size_execute0_lowered;
	s2 =	sadd.s32 s2, s4;
	[dreg:$0x0] =	wrdreg $0x0  }
0xa8: {  	s4 =	sshll.u32 s28, $0x1;
	[dreg:$0x2] =	wrdreg s2  }
0xa9: {  	[dreg:$0x3] =	wrdreg s4  }
0xaa: {  	[dreg:$0x4] =	wrdreg $0xC0  }
0xab: {  	_ =	task [dreg:s6], $0x5FFFF  }
0xac: {  	[dreg:$0x1] =	wrdreg $0xFFFFFFFF  }
0xad: {  	[dreg:$0x0] =	wrdreg $0x60  }
0xae: {  	[dreg:$0x2] =	wrdreg s24  }
0xaf: {  	[dreg:$0x3] =	wrdreg $0x9  }
0xb0: {  	_ =	task.clear_ibuf [dreg:s6], $0x4FFFF;
	_ =	strace $0x90000046  }
0xb1: {  	s29 =	simm.s32 $0x9;
	_ =	strace $0x80000048  }
0xb2: {  	_ =	swait.ge [sflag:s29], $0x1  }
0xb3: {  	[sflag:s29] =	ssyncadd.s32 $0xFFFFFFFF  }
0xb4: {  	_ =	strace $0x90000048  }
0xb5: {  	_ =	sfence  }
0xb6: {  	s30 =	sld [smem:$0x0];
	_ =	sdelay $0x2  }
0xb7: {  	s31 =	sshll.u32 s1, $0xD;
	s1 =	sshrl.u32 s1, $0x2  }
0xb8: {  	s3 =	sand.u32 $0x4000, s31;
	s1 =	sadd.s32 s1, s30  }
0xb9: {  	s0 =	sor.u32 s3, s0;
	s1 =	sshll.u32 s1, $0x11  }
0xba: {  	s0 =	sor.u32 s1, s0  }
0xbb: {  	s0 =	sadd.s32 $0x8F2B, s0  }
0xbc: {  	[sflag:s0] =	ssyncadd.remote.s32 $0x1  }
0xbd: {  	_ =	sfence.sel $0xFFFF  }
0xbe: {  	[dreg:$0x0] =	wrdreg $0xFFFFFFFF;
	(pc) =	sbr.abs _section_cstart, $3  }
0xbf: {  	[dreg:$0x1] =	wrdreg $0xFFFFFFFF  }
0xc0: {  	_ =	task.clear_ibuf [dreg:s6], $0x2FFFF;
	_ =	strace $0x9FFFFFFF  }
0xc1: {  	(tm) =	ssettm $0x7FFFFFFF  }
tec
execute0_lowered:
.L_overlay_start_1:
0x0: {  	(tag) =	ssettag $0x1  }
0x1: {  	s3 =	rddreg [dreg:$0x0]  }
0x2: {  	s0 =	rddreg [dreg:$0x1]  }
0x3: {  	s2 =	simm.s32 $0x0;
	s4 =	srdreg.scid;
	s1 =	stileid.u32  }
0x4: {  	s9 =	simm.s32 $0x80;
	s10 =	simm.s32 $0x1000;
	s12 =	simm.s32 $0x1080  }
0x5: {  	s13 =	simm.s32 $0x0;
	[smem:$0x7FF] =	sst s2;
	s4 =	sand.u32 $0x1, s4  }
0x6: {  	s5 =	sshll.u32 s1, $0x7;
	s6 =	sshll.u32 s1, $0x4;
	s7 =	sshll.u32 s4, $0xC  }
0x7: {  	s5 =	sand.u32 $0x400, s5;
	s8 =	sshll.u32 s4, $0x8;
	s29 =	sand.u32 $0x70, s6  }
0x8: {  	_ =	strace $0x80000047;
	s4 =	ssub.s32 $0x2, s4;
	s5 =	sor.u32 s7, s5  }
0x9: {  	s6 =	sor.u32 s6, s8;
	s30 =	sshrl.u32 s4, $0x1;
	s5 =	sor.u32 s29, s5  }
0xa: {  	s7 =	simm.s32 $0x200;
	s6 =	sshrl.u32 s6, $0x3;
	s5 =	sshrl.u32 s5, $0x3  }
0xb: {  	s8 =	simm.s32 $0x1;
	s6 =	sadd.s32 s6, s3;
	s5 =	sadd.s32 s5, s3  }
0xc: {  	s31 =	ssub.s32 s4, s30;
	s3 =	sadd.s32 $0xC00, s6;
	s4 =	sadd.s32 $0x4C00, s5  }
0xd: {  	v0 =	vimm.s32 $0x0;
	s6 =	simm.s32 $0x10;
	s5 =	smax.u32 s31, $0x1;
	s11 =	sadd.s32 $0x100, s4  }
.LBB2_1:
0xe: {  	[tilespmem:s2], [sflag:$0x1] =	stream.strided.gather [hbm4b:s3+s6], $0x1000, s7, s6, $0x38;
	[tilespmem:$0x1100] =	vst v63  }
0xf: {  	_ =	swait.ge [sflag:s8], $0x1000  }
0x10: {  	[sflag:s8] =	ssyncset.done $0x0  }
0x11: {  	v3 =	vimm.s32 $0x3F800000;
	v2 =	vimm.s32 $0x0;
	v1 =	vimm.s32 $0x0;
	s14 =	simm.s32 $0x0;
	[sflag:s8] =	ssyncadd.s32 $0xFFFFF000  }
.LBB2_2:
0x12: {  	s17 =	simm.s32 $0x0  }
0x13: {  	v6 =	vld [tilespmem:s17+$0x0]  }
0x14: {  	v7 =	vld [tilespmem:s17+$0x10]  }
0x15: {  	v4 =	vadd.s32 v1, v3;
	v8 =	vld [tilespmem:s17+$0x20]  }
0x16: {  	v4 =	vshra.s32 v4, $0x1;
	v9 =	vld [tilespmem:s17+$0x30]  }
0x17: {  	v10 =	vld [tilespmem:s17+$0x40];
	v5 =	vadd.s32 $0x1, v4  }
0x18: {  	v11 =	vld [tilespmem:s17+$0x50];
	v6 =	vsub.s32 v6, v5  }
0x19: {  	v12 =	vimm.s32 $0x0;
	v13 =	vld [tilespmem:s17+$0x60];
	v7 =	vsub.s32 v7, v5;
	v6 =	vshra.s32 v6, $0x1F  }
0x1a: {  	v8 =	vsub.s32 v8, v5;
	v7 =	vshra.s32 v7, $0x1F;
	v6 =	vadd.s32 v12, v6;
	v12 =	vld [tilespmem:s17+$0x70]  }
0x1b: {  	v6 =	vadd.s32 v7, v6;
	v7 =	vshra.s32 v8, $0x1F;
	v8 =	vsub.s32 v9, v5;
	v9 =	vld [tilespmem:s17+$0x80]  }
0x1c: {  	v6 =	vadd.s32 v7, v6;
	v7 =	vshra.s32 v8, $0x1F;
	v8 =	vsub.s32 v10, v5;
	v10 =	vld [tilespmem:s17+$0x90]  }
0x1d: {  	v14 =	vld [tilespmem:s17+$0xA0];
	v6 =	vadd.s32 v7, v6;
	v7 =	vshra.s32 v8, $0x1F;
	v8 =	vsub.s32 v11, v5  }
0x1e: {  	v11 =	vsub.s32 v13, v5;
	v7 =	vadd.s32 v7, v6;
	v8 =	vshra.s32 v8, $0x1F;
	v6 =	vld [tilespmem:s17+$0xB0]  }
0x1f: {  	v11 =	vshra.s32 v11, $0x1F;
	v8 =	vadd.s32 v8, v7;
	v12 =	vsub.s32 v12, v5;
	v7 =	vld [tilespmem:s17+$0xC0]  }
0x20: {  	v11 =	vadd.s32 v11, v8;
	v12 =	vshra.s32 v12, $0x1F;
	v9 =	vsub.s32 v9, v5;
	v8 =	vld [tilespmem:s17+$0xD0]  }
0x21: {  	v11 =	vadd.s32 v12, v11;
	v12 =	vshra.s32 v9, $0x1F;
	v10 =	vsub.s32 v10, v5;
	v9 =	vld [tilespmem:s17+$0xE0]  }
0x22: {  	s15 =	simm.s32 $0x100;
	s16 =	simm.s32 $0x800;
	v13 =	vsub.s32 v14, v5;
	v11 =	vadd.s32 v12, v11;
	v12 =	vshra.s32 v10, $0x1F;
	v10 =	vld [tilespmem:s17+$0xF0]  }
.LBB2_3:
0x23: {  	p0 =	sne.s32 s16, $0x3C00;
	v14 =	vld [tilespmem:s15+$0x0];
	v11 =	vadd.s32 v12, v11;
	v12 =	vshra.s32 v13, $0x1F;
	v6 =	vsub.s32 v6, v5  }
0x24: {  	v13 =	vld [tilespmem:s15+$0x10];
	v11 =	vadd.s32 v12, v11;
	v6 =	vshra.s32 v6, $0x1F;
	v7 =	vsub.s32 v7, v5  }
0x25: {  	v12 =	vld [tilespmem:s15+$0x20];
	v6 =	vadd.s32 v6, v11;
	v7 =	vshra.s32 v7, $0x1F;
	v8 =	vsub.s32 v8, v5  }
0x26: {  	v11 =	vld [tilespmem:s15+$0x30];
	v6 =	vadd.s32 v7, v6;
	v7 =	vshra.s32 v8, $0x1F;
	v8 =	vsub.s32 v9, v5  }
0x27: {  	v9 =	vld [tilespmem:s15+$0x40];
	v6 =	vadd.s32 v7, v6;
	v7 =	vshra.s32 v8, $0x1F;
	v8 =	vsub.s32 v10, v5  }
0x28: {  	v10 =	vsub.s32 v14, v5;
	v14 =	vld [tilespmem:s15+$0x50];
	v6 =	vadd.s32 v7, v6;
	v7 =	vshra.s32 v8, $0x1F  }
0x29: {  	v8 =	vshra.s32 v10, $0x1F;
	v10 =	vsub.s32 v13, v5;
	v13 =	vld [tilespmem:s15+$0x60];
	v6 =	vadd.s32 v7, v6  }
0x2a: {  	v6 =	vadd.s32 v6, v8;
	v7 =	vshra.s32 v10, $0x1F;
	v8 =	vsub.s32 v12, v5;
	v10 =	vld [tilespmem:s15+$0x70]  }
0x2b: {  	v6 =	vadd.s32 v7, v6;
	v7 =	vshra.s32 v8, $0x1F;
	v8 =	vsub.s32 v11, v5;
	v11 =	vld [tilespmem:s15+$0x80]  }
0x2c: {  	v6 =	vadd.s32 v7, v6;
	v7 =	vshra.s32 v8, $0x1F;
	v8 =	vsub.s32 v9, v5;
	v9 =	vld [tilespmem:s15+$0x90]  }
0x2d: {  	v6 =	vadd.s32 v7, v6;
	v7 =	vshra.s32 v8, $0x1F;
	v8 =	vsub.s32 v14, v5;
	v14 =	vld [tilespmem:s15+$0xA0]  }
.Ltmp0:
0x2e: {  	v7 =	vadd.s32 v7, v6;
	v8 =	vshra.s32 v8, $0x1F;
	v12 =	vsub.s32 v13, v5;
	v6 =	vld [tilespmem:s15+$0xB0];
	(pc) =	sbr.rel @p0 .LBB2_3-.Ltmp0, $4  }
0x2f: {  	v8 =	vadd.s32 v8, v7;
	v12 =	vshra.s32 v12, $0x1F;
	v10 =	vsub.s32 v10, v5;
	v7 =	vld [tilespmem:s15+$0xC0]  }
0x30: {  	v12 =	vadd.s32 v12, v8;
	v10 =	vshra.s32 v10, $0x1F;
	v11 =	vsub.s32 v11, v5;
	v8 =	vld [tilespmem:s15+$0xD0]  }
0x31: {  	v10 =	vadd.s32 v10, v12;
	v11 =	vshra.s32 v11, $0x1F;
	v12 =	vsub.s32 v9, v5;
	v9 =	vld [tilespmem:s15+$0xE0]  }
0x32: {  	v11 =	vadd.s32 v11, v10;
	v12 =	vshra.s32 v12, $0x1F;
	v13 =	vsub.s32 v14, v5;
	v10 =	vld [tilespmem:s15+$0xF0];
	s15 =	sshra.s32 s16, $0x2;
	s16 =	sadd.s32 $0x400, s16  }
0x33: {  	v14 =	vld [tilespmem:s15+$0x0];
	v11 =	vadd.s32 v12, v11;
	v60 =	vshra.s32 v13, $0x1F;
	v6 =	vsub.s32 v6, v5  }
0x34: {  	v61 =	vld [tilespmem:s15+$0x10];
	v11 =	vadd.s32 v60, v11;
	v6 =	vshra.s32 v6, $0x1F;
	v7 =	vsub.s32 v7, v5  }
0x35: {  	v62 =	vld [tilespmem:s15+$0x20];
	v6 =	vadd.s32 v6, v11;
	v7 =	vshra.s32 v7, $0x1F;
	v8 =	vsub.s32 v8, v5  }
0x36: {  	v63 =	vld [tilespmem:s15+$0x30];
	v6 =	vadd.s32 v7, v6;
	v15 =	vshra.s32 v8, $0x1F;
	v16 =	vsub.s32 v9, v5  }
0x37: {  	v17 =	vld [tilespmem:s15+$0x40];
	v6 =	vadd.s32 v15, v6;
	v18 =	vshra.s32 v16, $0x1F;
	v19 =	vsub.s32 v10, v5  }
0x38: {  	v21 =	vld [tilespmem:s15+$0x50];
	v20 =	vsub.s32 v14, v5;
	v6 =	vadd.s32 v18, v6;
	v22 =	vshra.s32 v19, $0x1F  }
0x39: {  	v25 =	vld [tilespmem:s15+$0x60];
	v24 =	vsub.s32 v61, v5;
	v23 =	vshra.s32 v20, $0x1F;
	v6 =	vadd.s32 v22, v6  }
0x3a: {  	v28 =	vld [tilespmem:s15+$0x70];
	v27 =	vsub.s32 v62, v5;
	v26 =	vshra.s32 v24, $0x1F;
	v6 =	vadd.s32 v6, v23  }
0x3b: {  	v31 =	vld [tilespmem:s15+$0x80];
	v30 =	vsub.s32 v63, v5;
	v29 =	vshra.s32 v27, $0x1F;
	v6 =	vadd.s32 v26, v6  }
0x3c: {  	v34 =	vld [tilespmem:s15+$0x90];
	v33 =	vsub.s32 v17, v5;
	v32 =	vshra.s32 v30, $0x1F;
	v6 =	vadd.s32 v29, v6  }
0x3d: {  	v37 =	vld [tilespmem:s15+$0xA0];
	v36 =	vsub.s32 v21, v5;
	v35 =	vshra.s32 v33, $0x1F;
	v6 =	vadd.s32 v32, v6  }
0x3e: {  	v40 =	vld [tilespmem:s15+$0xB0];
	v39 =	vsub.s32 v25, v5;
	v38 =	vshra.s32 v36, $0x1F;
	v6 =	vadd.s32 v35, v6  }
0x3f: {  	v43 =	vld [tilespmem:s15+$0xC0];
	v42 =	vsub.s32 v28, v5;
	v41 =	vshra.s32 v39, $0x1F;
	v6 =	vadd.s32 v38, v6  }
0x40: {  	v46 =	vld [tilespmem:s15+$0xD0];
	v45 =	vsub.s32 v31, v5;
	v44 =	vshra.s32 v42, $0x1F;
	v6 =	vadd.s32 v41, v6  }
0x41: {  	v49 =	vld [tilespmem:s15+$0xE0];
	v48 =	vsub.s32 v34, v5;
	v47 =	vshra.s32 v45, $0x1F;
	v6 =	vadd.s32 v44, v6  }
0x42: {  	v52 =	vld [tilespmem:s15+$0xF0];
	v51 =	vsub.s32 v37, v5;
	v50 =	vshra.s32 v48, $0x1F;
	v6 =	vadd.s32 v47, v6  }
0x43: {  	v54 =	vsub.s32 v40, v5;
	v53 =	vshra.s32 v51, $0x1F;
	v6 =	vadd.s32 v50, v6  }
0x44: {  	v56 =	vsub.s32 v43, v5;
	v55 =	vshra.s32 v54, $0x1F;
	v6 =	vadd.s32 v53, v6  }
0x45: {  	v58 =	vsub.s32 v46, v5;
	v57 =	vshra.s32 v56, $0x1F;
	v6 =	vadd.s32 v55, v6  }
0x46: {  	s14 =	sadd.s32 $0x1, s14;
	v60 =	vsub.s32 v49, v5;
	v59 =	vshra.s32 v58, $0x1F;
	v6 =	vadd.s32 v57, v6  }
0x47: {  	p0 =	sne.s32 s14, $0x1E;
	v62 =	vsub.s32 v52, v5;
	v61 =	vshra.s32 v60, $0x1F;
	v6 =	vadd.s32 v59, v6  }
.Ltmp1:
0x48: {  	v63 =	vshra.s32 v62, $0x1F;
	v6 =	vadd.s32 v61, v6;
	(pc) =	sbr.rel @p0 .LBB2_2-.Ltmp1, $4  }
0x49: {  	v6 =	vadd.s32 v63, v6  }
0x4a: {  	v6 =	vsub.s32 $0x0, v6  }
0x4b: {  	vm0 =	vgt.s32 v6, $0x13  }
0x4c: {  	v1 =	vsel vm0, v1, v5;
	v3 =	vsel vm0, v4, v3;
	v2 =	vsel vm0, v2, v6  }
0x4d: {  	s16 =	simm.s32 $0x80  }
0x4e: {  	v3 =	vld [tilespmem:s16+$0xFFFFFF90]  }
0x4f: {  	v4 =	vld [tilespmem:s16+$0xFFFFFFD0]  }
0x50: {  	v5 =	vld [tilespmem:s16+$0xFFFFFF80]  }
0x51: {  	v6 =	vld [tilespmem:s16+$0xFFFFFFC0]  }
0x52: {  	v8 =	vld [tilespmem:s16+$0xFFFFFFA0]  }
0x53: {  	v9 =	vld [tilespmem:s16+$0xFFFFFFB0]  }
0x54: {  	v2 =	vsub.s32 $0x14, v2;
	v7 =	vimm.s32 $0x0;
	v11 =	vld [tilespmem:s16+$0x0]  }
0x55: {  	vm2 =	vlt.s32 v7, v2;
	vm9 =	vlt.s32 v3, v1;
	vm0 =	veq.s32 v3, v1  }
0x56: {  	vm5 =	vlt.s32 v5, v1;
	vm4 =	veq.s32 v5, v1;
	vm6 =	vlt.s32 v4, v1  }
0x57: {  	vm3 =	vlt.s32 v6, v1;
	vm1 =	veq.s32 v4, v1;
	vm8 =	veq.s32 v6, v1  }
0x58: {  	vm10 =	veq.s32 v8, v1;
	vm11 =	veq.s32 v9, v1;
	vm13 =	vlt.s32 v8, v1  }
0x59: {  	v3 =	vld [tilespmem:s16+$0xFFFFFFE0];
	vm12 =	veq.s32 v11, v1;
	v10 =	vsel vm4, $0x1, v0;
	vm2 =	vmand vm2, vm4  }
0x5a: {  	v4 =	vld [tilespmem:s16+$0xFFFFFFF0];
	v5 =	vsel vm1, $0x1, v0;
	v12 =	vsel vm8, $0x1, v0;
	v13 =	vsel vm10, $0x1, v0  }
0x5b: {  	vm2 =	vmor vm5, vm2;
	v6 =	vadd.s32 v10, v7;
	v10 =	vsel vm0, $0x1, v0  }
0x5c: {  	v7 =	vsel vm2, $0x1, v0;
	vm2 =	vlt.s32 v6, v2;
	v15 =	vadd.s32 v10, v6  }
0x5d: {  	v14 =	vsel vm11, $0x1, v0;
	v13 =	vadd.s32 v13, v15;
	vm0 =	vmand vm0, vm2  }
0x5e: {  	vm2 =	vlt.s32 v15, v2;
	vm15 =	vlt.s32 v3, v1;
	vm7 =	veq.s32 v3, v1  }
0x5f: {  	v10 =	vld [tilespmem:s16+$0x10];
	vm14 =	vlt.s32 v4, v1;
	vm5 =	veq.s32 v4, v1;
	v4 =	vsel vm12, $0x1, v0  }
0x60: {  	s14 =	simm.s32 $0x0;
	s17 =	simm.s32 $0x10;
	s15 =	simm.s32 $0x80;
	v3 =	vld [tilespmem:s16+$0x20];
	v14 =	vadd.s32 v14, v13;
	v6 =	vsel vm7, $0x1, v0;
	v8 =	vsel vm5, $0x1, v0  }
.LBB2_6:
0x61: {  	v15 =	vimm.s32 $0x0;
	vm0 =	vmor vm9, vm0;
	v12 =	vadd.s32 v12, v14  }
0x62: {  	vm4 =	vlt.s32 v14, v2;
	v14 =	vimm.s32 $0x0;
	v15 =	vsel vm14, $0xFFFFFFFF, v15  }
0x63: {  	vm14 =	vmand vm10, vm2;
	vm2 =	vlt.s32 v11, v1;
	v11 =	vimm.s32 $0x0  }
0x64: {  	vm10 =	vmmov vm6;
	vm6 =	vmmov vm15;
	vm15 =	vlt.s32 v13, v2  }
0x65: {  	vm4 =	vmand vm8, vm4;
	v5 =	vadd.s32 v5, v12;
	v11 =	vsel vm2, $0xFFFFFFFF, v11  }
0x66: {  	[tilespmem:$0x1FFC0] =	vst v15;
	v15 =	vimm.s32 $0x0;
	vm2 =	vlt.s32 v12, v2;
	vm4 =	vmor vm3, vm4  }
0x67: {  	vm13 =	vmor vm13, vm14;
	[tilespmem:$0x1FFD0] =	vst v11;
	v11 =	vsel vm0, $0x2, v0;
	v60 =	vsel vm4, $0x10, v0  }
0x68: {  	vm4 =	vlt.s32 v5, v2;
	vm2 =	vmand vm1, vm2;
	v5 =	vadd.s32 v6, v5  }
0x69: {  	vm0 =	vlt.s32 v10, v1;
	vm9 =	veq.s32 v10, v1;
	v7 =	vor.u32 v7, v11;
	v11 =	vld [tilespmem:s15+$0x50]  }
0x6a: {  	vm8 =	veq.s32 v3, v1;
	vm4 =	vmand vm7, vm4;
	vm2 =	vmor vm10, vm2;
	v6 =	vld [tilespmem:$0x1FFD0]  }
0x6b: {  	v15 =	vsel vm0, $0xFFFFFFFF, v15;
	vm0 =	vlt.s32 v9, v1;
	v9 =	vld [tilespmem:s15+$0x40];
	vm4 =	vmor vm6, vm4  }
0x6c: {  	v61 =	vsel vm2, $0x20, v0;
	vm2 =	vlt.s32 v5, v2;
	v5 =	vadd.s32 v8, v5;
	[tilespmem:$0x1FFE0] =	vst v15;
	v15 =	vld [tilespmem:s15+$0x30]  }
0x6d: {  	v62 =	vsel vm4, $0x40, v0;
	vm4 =	vlt.s32 v3, v1;
	v3 =	vadd.s32 v4, v5;
	v4 =	vld [tilespmem:$0x1FFC0]  }
0x6e: {  	vm11 =	vmand vm11, vm15;
	v10 =	vsel vm9, $0x1, v0;
	v13 =	vsel vm8, $0x1, v0  }
0x6f: {  	vm0 =	vmor vm0, vm11;
	vm2 =	vmand vm5, vm2;
	vm5 =	vlt.s32 v5, v2  }
0x70: {  	v16 =	vsel vm0, $0x8, v0;
	vm6 =	vmand vm12, vm5;
	vm11 =	vlt.s32 v11, v1  }
0x71: {  	vm14 =	veq.s32 v11, v1;
	vm10 =	vnez.u8 v6;
	vm3 =	vlt.s32 v15, v1  }
0x72: {  	vm15 =	vlt.s32 v9, v1;
	v14 =	vsel vm3, $0xFFFFFFFF, v14;
	vm3 =	vnez.u8 v4  }
0x73: {  	v4 =	vadd.s32 v10, v3;
	[tilespmem:$0x1FFF0] =	vst v14;
	v14 =	vsel vm13, $0x4, v0;
	vm13 =	veq.s32 v15, v1;
	v15 =	vld [tilespmem:s15+$0x60]  }
0x74: {  	vm0 =	veq.s32 v9, v1;
	vm6 =	vmor vm10, vm6;
	v5 =	vadd.s32 v13, v4;
	v13 =	vld [tilespmem:$0x1FFE0]  }
0x75: {  	vm10 =	vlt.s32 v3, v2;
	v9 =	vsel vm0, $0x1, v0;
	v7 =	vor.u32 v14, v7  }
0x76: {  	vm10 =	vmand vm9, vm10;
	v14 =	vsel vm13, $0x1, v0;
	v7 =	vor.u32 v16, v7  }
0x77: {  	vm3 =	vmor vm3, vm2;
	v3 =	vadd.s32 v14, v5;
	v7 =	vor.u32 v60, v7  }
0x78: {  	v6 =	vsel vm3, $0x80, v0;
	vm3 =	vlt.s32 v3, v2;
	v7 =	vor.u32 v61, v7  }
0x79: {  	vm0 =	vmand vm0, vm3;
	vm7 =	veq.s32 v15, v1;
	vm3 =	vnez.u8 v13  }
0x7a: {  	vm1 =	vlt.s32 v15, v1;
	v15 =	vld [tilespmem:s15+$0x70];
	v7 =	vor.u32 v62, v7;
	vm3 =	vmor vm3, vm10  }
0x7b: {  	v6 =	vor.u32 v6, v7;
	v7 =	vsel vm3, $0x200, v0;
	vm3 =	vlt.s32 v4, v2;
	v4 =	vld [tilespmem:$0x1FFF0]  }
0x7c: {  	v11 =	vsel vm14, $0x1, v0;
	v10 =	vsel vm6, $0x100, v0;
	vm0 =	vmor vm15, vm0  }
0x7d: {  	v3 =	vadd.s32 v9, v3;
	v12 =	vsel vm7, $0x1, v0;
	v13 =	vsel vm0, $0x1000, v0  }
0x7e: {  	vm0 =	vlt.s32 v5, v2;
	v6 =	vor.u32 v10, v6;
	vm3 =	vmand vm8, vm3  }
0x7f: {  	vm0 =	vmand vm13, vm0;
	v5 =	vor.u32 v7, v6;
	vm3 =	vmor vm4, vm3  }
0x80: {  	vm2 =	veq.s32 v15, v1;
	v6 =	vsel vm3, $0x400, v0;
	vm6 =	vnez.u8 v4  }
0x81: {  	vm0 =	vmor vm6, vm0;
	vm6 =	vlt.s32 v3, v2;
	v3 =	vadd.s32 v11, v3  }
0x82: {  	v4 =	vsel vm0, $0x800, v0;
	vm0 =	vmand vm14, vm6;
	vm6 =	vlt.s32 v3, v2  }
0x83: {  	v5 =	vor.u32 v6, v5;
	vm0 =	vmor vm11, vm0;
	vm4 =	vmand vm7, vm6  }
0x84: {  	v3 =	vadd.s32 v12, v3;
	v7 =	vsel vm0, $0x2000, v0;
	vm0 =	vmor vm1, vm4  }
0x85: {  	v4 =	vor.u32 v4, v5;
	v6 =	vsel vm0, $0x4000, v0;
	vm0 =	vlt.s32 v3, v2  }
0x86: {  	vm5 =	vlt.s32 v15, v1;
	v4 =	vor.u32 v13, v4;
	vm0 =	vmand vm2, vm0  }
0x87: {  	v4 =	vor.u32 v7, v4;
	vm0 =	vmor vm5, vm0  }
0x88: {  	v4 =	vor.u32 v6, v4;
	v5 =	vsel vm0, $0x8000, v0  }
0x89: {  	s19 =	sand.u32 $0xF0, s14;
	v4 =	vor.u32 v5, v4  }
0x8a: {  	s16 =	sadd.s32 $0x100, s16;
	[tilespmem:s19+$0x1000] =	vst v4  }
0x8b: {  	v4 =	vld [tilespmem:s16+$0xFFFFFF90]  }
0x8c: {  	v5 =	vld [tilespmem:s16+$0xFFFFFFD0]  }
0x8d: {  	v6 =	vld [tilespmem:s16+$0xFFFFFF80]  }
0x8e: {  	v8 =	vsel vm2, $0x1, v0;
	v7 =	vld [tilespmem:s16+$0xFFFFFFC0]  }
0x8f: {  	v3 =	vadd.s32 v8, v3;
	v8 =	vld [tilespmem:s16+$0xFFFFFFA0]  }
0x90: {  	v9 =	vld [tilespmem:s16+$0xFFFFFFB0]  }
0x91: {  	v14 =	vld [tilespmem:s16+$0xFFFFFFF0]  }
0x92: {  	v11 =	vld [tilespmem:s16+$0x0]  }
0x93: {  	vm2 =	vlt.s32 v3, v2;
	vm9 =	vlt.s32 v4, v1;
	vm0 =	veq.s32 v4, v1  }
0x94: {  	vm4 =	vlt.s32 v6, v1;
	vm5 =	veq.s32 v6, v1;
	vm6 =	vlt.s32 v5, v1  }
0x95: {  	vm3 =	vlt.s32 v7, v1;
	vm1 =	veq.s32 v5, v1;
	vm8 =	veq.s32 v7, v1  }
0x96: {  	vm10 =	veq.s32 v8, v1;
	vm11 =	veq.s32 v9, v1;
	vm14 =	vlt.s32 v14, v1  }
0x97: {  	vm13 =	vlt.s32 v8, v1;
	vm12 =	veq.s32 v11, v1;
	v6 =	vsel vm5, $0x1, v0  }
0x98: {  	v4 =	vld [tilespmem:s16+$0xFFFFFFE0];
	vm2 =	vmand vm2, vm5;
	v5 =	vsel vm1, $0x1, v0;
	v12 =	vsel vm8, $0x1, v0  }
0x99: {  	p0 =	sne.s32 s17, $0xF0;
	v15 =	vsel vm11, $0x1, v0;
	v13 =	vsel vm10, $0x1, v0;
	vm5 =	veq.s32 v14, v1  }
.Ltmp2:
0x9a: {  	vm2 =	vmor vm4, vm2;
	v3 =	vadd.s32 v6, v3;
	v6 =	vsel vm0, $0x1, v0;
	(pc) =	sbr.rel @p0 .LBB2_6-.Ltmp2, $4  }
0x9b: {  	v7 =	vsel vm2, $0x1, v0;
	vm2 =	vlt.s32 v3, v2;
	v63 =	vadd.s32 v6, v3  }
0x9c: {  	v8 =	vsel vm5, $0x1, v0;
	v13 =	vadd.s32 v13, v63;
	vm0 =	vmand vm0, vm2  }
0x9d: {  	s18 =	smov.u32 s17;
	v10 =	vld [tilespmem:s16+$0x10];
	vm2 =	vlt.s32 v63, v2;
	vm15 =	vlt.s32 v4, v1;
	vm7 =	veq.s32 v4, v1  }
0x9e: {  	s17 =	sadd.s32 $0x10, s17;
	s14 =	smov.u32 s18;
	s15 =	smov.u32 s16;
	v3 =	vld [tilespmem:s16+$0x20];
	v4 =	vsel vm12, $0x1, v0;
	v14 =	vadd.s32 v15, v13;
	v6 =	vsel vm7, $0x1, v0  }
0x9f: {  	vm0 =	vmor vm9, vm0;
	vm2 =	vmand vm10, vm2;
	v12 =	vadd.s32 v12, v14  }
0xa0: {  	vm10 =	vlt.s32 v13, v2;
	vm4 =	vlt.s32 v9, v1;
	v15 =	vsel vm0, $0x2, v0  }
0xa1: {  	vm2 =	vmor vm13, vm2;
	vm0 =	vmand vm11, vm10;
	vm13 =	vlt.s32 v14, v2  }
0xa2: {  	v5 =	vadd.s32 v5, v12;
	vm0 =	vmor vm4, vm0;
	vm11 =	vmand vm8, vm13  }
0xa3: {  	v44 =	vsel vm2, $0x4, v0;
	vm13 =	vlt.s32 v5, v2;
	vm8 =	vlt.s32 v11, v1  }
0xa4: {  	v5 =	vadd.s32 v6, v5;
	v7 =	vor.u32 v7, v15;
	vm3 =	vmor vm3, vm11  }
0xa5: {  	v45 =	vsel vm0, $0x8, v0;
	vm4 =	vmand vm7, vm13;
	vm7 =	vlt.s32 v12, v2  }
0xa6: {  	v47 =	vld [tilespmem:s15+$0x30];
	vm9 =	vlt.s32 v5, v2;
	vm10 =	veq.s32 v10, v1;
	v5 =	vadd.s32 v8, v5  }
0xa7: {  	v16 =	vld [tilespmem:s15+$0x40];
	v7 =	vor.u32 v44, v7;
	v46 =	vsel vm3, $0x10, v0;
	vm1 =	vmand vm1, vm7  }
0xa8: {  	v55 =	vld [tilespmem:s15+$0x50];
	vm0 =	vmor vm15, vm4;
	vm11 =	vmand vm5, vm9;
	v17 =	vsel vm10, $0x1, v0  }
0xa9: {  	vm13 =	vlt.s32 v5, v2;
	v4 =	vadd.s32 v4, v5;
	v7 =	vor.u32 v45, v7  }
0xaa: {  	vm1 =	vmor vm6, vm1;
	v49 =	vsel vm0, $0x40, v0;
	vm0 =	veq.s32 v3, v1  }
0xab: {  	vm3 =	vmor vm14, vm11;
	vm4 =	vmand vm12, vm13;
	vm14 =	veq.s32 v47, v1  }
0xac: {  	v5 =	vadd.s32 v17, v4;
	vm15 =	vlt.s32 v4, v2;
	vm11 =	vlt.s32 v16, v1  }
0xad: {  	vm13 =	vlt.s32 v47, v1;
	v7 =	vor.u32 v46, v7;
	vm6 =	veq.s32 v55, v1  }
0xae: {  	v48 =	vsel vm1, $0x20, v0;
	v18 =	vsel vm0, $0x1, v0;
	v50 =	vsel vm14, $0x1, v0  }
0xaf: {  	vm2 =	vmor vm8, vm4;
	v52 =	vsel vm3, $0x80, v0;
	vm8 =	veq.s32 v16, v1  }
0xb0: {  	vm1 =	vmand vm10, vm15;
	vm10 =	vlt.s32 v10, v1;
	vm15 =	vlt.s32 v55, v1  }
0xb1: {  	v60 =	vsel vm6, $0x1, v0;
	v17 =	vadd.s32 v18, v5;
	v53 =	vsel vm8, $0x1, v0  }
0xb2: {  	v57 =	vld [tilespmem:s15+$0x60];
	v54 =	vsel vm2, $0x100, v0;
	vm1 =	vmor vm10, vm1;
	v6 =	vor.u32 v48, v7  }
0xb3: {  	v51 =	vadd.s32 v50, v17;
	v56 =	vsel vm1, $0x200, v0;
	vm12 =	vlt.s32 v17, v2  }
0xb4: {  	v6 =	vor.u32 v49, v6;
	vm9 =	vlt.s32 v51, v2;
	vm1 =	vmand vm14, vm12  }
0xb5: {  	vm14 =	vlt.s32 v5, v2;
	v4 =	vadd.s32 v53, v51;
	v6 =	vor.u32 v52, v6  }
0xb6: {  	vm3 =	vmand vm8, vm9;
	vm1 =	vmor vm13, vm1;
	vm0 =	vmand vm0, vm14  }
0xb7: {  	vm7 =	vlt.s32 v4, v2;
	vm8 =	vlt.s32 v3, v1;
	vm9 =	veq.s32 v57, v1  }
0xb8: {  	v4 =	vadd.s32 v60, v4;
	v6 =	vor.u32 v54, v6;
	vm2 =	vmor vm11, vm3  }
0xb9: {  	v3 =	vld [tilespmem:s15+$0x70];
	v59 =	vsel vm1, $0x800, v0;
	vm1 =	vmand vm6, vm7;
	vm0 =	vmor vm8, vm0  }
0xba: {  	v61 =	vsel vm9, $0x1, v0;
	vm10 =	vlt.s32 v4, v2;
	vm11 =	vlt.s32 v57, v1  }
0xbb: {  	v6 =	vor.u32 v56, v6;
	v58 =	vsel vm2, $0x1000, v0;
	vm1 =	vmor vm15, vm1  }
0xbc: {  	vm2 =	vmand vm9, vm10;
	v62 =	vsel vm0, $0x400, v0;
	v4 =	vadd.s32 v61, v4  }
0xbd: {  	v63 =	vsel vm1, $0x2000, v0;
	v6 =	vor.u32 v62, v6;
	vm0 =	vmor vm11, vm2  }
0xbe: {  	vm13 =	vlt.s32 v4, v2;
	v5 =	vor.u32 v59, v6;
	vm12 =	veq.s32 v3, v1  }
0xbf: {  	vm14 =	vlt.s32 v3, v1;
	v1 =	vor.u32 v58, v5;
	vm1 =	vmand vm12, vm13  }
0xc0: {  	v2 =	vsel vm0, $0x4000, v0;
	v1 =	vor.u32 v63, v1;
	vm15 =	vmor vm14, vm1  }
0xc1: {  	v1 =	vor.u32 v2, v1;
	v3 =	vsel vm15, $0x8000, v0  }
0xc2: {  	s14 =	sand.u32 $0xF0, s14;
	s13 =	sadd.s32 $0x1, s13;
	v1 =	vor.u32 v3, v1  }
0xc3: {  	p0 =	sne.s32 s13, s5;
	[tilespmem:s14+$0x1000] =	vst v1  }
0xc4: {  	[hbm4b:s4+s6] =	stream.strided.scatter [tilespmem:s10], [sflag:$0x1], $0x80, s9, s6, $0x38;
	[tilespmem:$0x1100] =	vst v63  }
.Ltmp3:
0xc5: {  	_ = 	snop;
	(pc) =	sbr.rel @p0 .LBB2_1-.Ltmp3, $4  }
0xc6: {  	[hbm4b:s11+s6] =	stream.strided.scatter [tilespmem:s12], [sflag:$0x1], $0x80, s9, s6, $0x38;
	[tilespmem:$0x1100] =	vst v63  }
0xc7: {  	_ =	swait.ge [sflag:s8], $0x100  }
0xc8: {  	[sflag:s8] =	ssyncset.done $0x0  }
0xc9: {  	[sflag:s8] =	ssyncadd.s32 $0xFFFFFF00  }
0xca: {  	_ =	sfence.sel $0x180000  }
0xcb: {  	[bflag:$0x0] =	sbarrier.arrive $0xFFFF  }
0xcc: {  	p0 =	sne.s32 s1, $0x0;
	_ =	strace $0x90000047  }
0xcd: {  	s0 =	sadd.s32 @!p0 $0x100000, s0;
	[bflag:$0x2] =	sbarrier.arrive $0xFFFF  }
0xce: {  	[sflag:s0] =	ssyncadd.tile.s32 @!p0 $0x1;
	_ =	shalt  }
.Lfunc_end2:
_tile_overlayer_lowered:
.L_overlay_start_2:
0xcf: {  	(tag) =	ssettag $0x2  }
0xd0: {  	s0 =	rddreg [dreg:$0x0];
	s2 =	stileid.u32  }
0xd1: {  	s1 =	rddreg [dreg:$0x1];
	p0 =	sne.s32 s2, $0x0  }
0xd2: {  	s3 =	rddreg [dreg:$0x2];
	[bflag:$0x3] =	sbarrier.arrive $0xFFFF;
	s2 =	simm.s32 @!p0 $0x1C01  }
0xd3: {  	[timem:s3], [sflag:s2] =	dma.local @!p0 [hbm:s0], s1  }
0xd4: {  	s0 =	simm.s32 @!p0 $0x1  }
0xd5: {  	_ =	swait.ge @!p0 [sflag:s0], s1  }
0xd6: {  	s1 =	ssub.s32 @!p0 $0x0, s1;
	[sflag:s0] =	ssyncset.done @!p0 $0x0  }
0xd7: {  	[sflag:s0] =	ssyncadd.s32 @!p0 s1  }
0xd8: {  	[bflag:$0x3] =	sbarrier.arrive $0xFFFF  }
0xd9: {  	_ =	shalt  }

</sc_bundles>
